<compile_context>
chip_gen: v7x
topology: tpu7x:2x2x1
jax: 0.10.2.dev20260603
libtpu: 0.0.44.dev20260713+nightly
codegen_flags: <defaults>
</compile_context>

<pallas_src>
import functools

import jax
import jax.numpy as jnp
from jax import lax
from jax.experimental import pallas as pl
from jax.experimental.pallas import tpu as pltpu
from jax.experimental.pallas import tpu_sc as plsc

_EPS = 1e-12
_NC = 2
_NS = 16
_NW = _NC * _NS
_LANES = 16
_CHUNK = 128
_UNROLL = 2


def _lane_shuffle(v, idx):
    dnums = lax.GatherDimensionNumbers(
        offset_dims=(), collapsed_slice_dims=(0,), start_index_map=(0,))
    return lax.gather(v, idx[:, None], dnums, slice_sizes=(1,),
                      mode=lax.GatherScatterMode.PROMISE_IN_BOUNDS)


def _allsum(v):
    lane = lax.iota(jnp.int32, _LANES)
    for stride in (1, 2, 4, 8):
        v = v + _lane_shuffle(v, lax.bitwise_xor(lane, stride))
    return v


def _rsqrt(x):
    i = plsc.bitcast(x, jnp.int32)
    i = 0x5F3759DF - lax.shift_right_arithmetic(i, 1)
    y = plsc.bitcast(i, jnp.float32)
    for _ in range(2):
        y = y * (1.5 - 0.5 * x * y * y)
    return y


def _make_sc_kernel(n_tokens, emb):
    per_w = n_tokens // _NW
    n_chunks = per_w // _CHUNK
    n2 = n_chunks // 2
    n_sub = emb // _LANES
    mesh = plsc.VectorSubcoreMesh(core_axis_name="c", subcore_axis_name="s")

    @functools.partial(
        pl.kernel,
        mesh=mesh,
        compiler_params=pltpu.CompilerParams(needs_layout_passes=False),
        out_type=jax.ShapeDtypeStruct((n_tokens, emb), jnp.float32),
        scratch_types=[
            pltpu.VMEM((n_chunks, 2, _CHUNK), jnp.int32),
            pltpu.VMEM((_CHUNK, emb), jnp.float32),
            pltpu.VMEM((_CHUNK, emb), jnp.float32),
            pltpu.VMEM((_CHUNK, emb), jnp.float32),
            pltpu.VMEM((_CHUNK, emb), jnp.float32),
            pltpu.VMEM((_CHUNK, emb), jnp.float32),
            pltpu.VMEM((_CHUNK, emb), jnp.float32),
            pltpu.VMEM((2, emb), jnp.float32),
            pltpu.SemaphoreType.DMA,
            pltpu.SemaphoreType.DMA,
            pltpu.SemaphoreType.DMA,
            pltpu.SemaphoreType.DMA,
            pltpu.SemaphoreType.DMA,
            pltpu.SemaphoreType.DMA,
        ],
    )
    def sc_kernel(pk_hbm, word_hbm, ptt_hbm, gb_hbm, out_hbm,
                  idxall, row0, row1, prw0, prw1, ob0, ob1, gb_v,
                  sw0, sw1, sp0, sp1, so0, so1):
        wid = lax.axis_index("s") * _NC + lax.axis_index("c")
        base = wid * per_w
        pltpu.sync_copy(gb_hbm, gb_v)
        pltpu.sync_copy(pk_hbm.at[wid], idxall)
        gs = [gb_v[0, pl.ds(k * _LANES, _LANES)] for k in range(n_sub)]
        bs = [gb_v[1, pl.ds(k * _LANES, _LANES)] for k in range(n_sub)]

        rows = (row0, row1)
        prws = (prw0, prw1)
        obs = (ob0, ob1)
        sws = (sw0, sw1)
        sps = (sp0, sp1)
        sos = (so0, so1)

        def start_gather(ci, b):
            pltpu.make_async_copy(
                word_hbm.at[idxall.at[ci, 0]], rows[b], sws[b]).start()
            pltpu.make_async_copy(
                ptt_hbm.at[idxall.at[ci, 1]], prws[b], sps[b]).start()

        def wait_gather(ci, b):
            pltpu.make_async_copy(
                word_hbm.at[idxall.at[ci, 0]], rows[b], sws[b]).wait()
            pltpu.make_async_copy(
                ptt_hbm.at[idxall.at[ci, 1]], prws[b], sps[b]).wait()

        def wait_writeback(b):
            pltpu.make_async_copy(
                obs[b], out_hbm.at[pl.ds(base, _CHUNK)], sos[b]).wait()

        def compute(b):
            rv, pv, ov = rows[b], prws[b], obs[b]

            def tok_body(tt, carry):
                for j in range(_UNROLL):
                    t = tt * _UNROLL + j
                    regs = [rv[t, pl.ds(k * _LANES, _LANES)]
                            + pv[t, pl.ds(k * _LANES, _LANES)]
                            for k in range(n_sub)]
                    sv = regs[0]
                    qv = regs[0] * regs[0]
                    for k in range(1, n_sub):
                        sv = sv + regs[k]
                        qv = qv + regs[k] * regs[k]
                    inv_n = 1.0 / emb
                    mean_v = _allsum(sv) * inv_n
                    msq_v = _allsum(qv) * inv_n
                    var_v = msq_v - mean_v * mean_v
                    inv_std = _rsqrt(var_v + _EPS)
                    for k in range(n_sub):
                        ov[t, pl.ds(k * _LANES, _LANES)] = (
                            (regs[k] - mean_v) * inv_std * gs[k] + bs[k])
                return carry

            lax.fori_loop(0, _CHUNK // _UNROLL, tok_body, 0)

        def start_writeback(ci, b):
            pltpu.make_async_copy(
                obs[b], out_hbm.at[pl.ds(base + ci * _CHUNK, _CHUNK)],
                sos[b]).start()

        start_gather(0, 0)

        def loop_body(ci2, carry):
            ci_a = ci2 * 2
            ci_b = ci_a + 1
            start_gather(ci_b, 1)
            wait_gather(ci_a, 0)

            @pl.when(ci2 > 0)
            def _():
                wait_writeback(0)

            compute(0)
            start_writeback(ci_a, 0)

            @pl.when(ci2 < n2 - 1)
            def _():
                start_gather(ci_a + 2, 0)

            wait_gather(ci_b, 1)

            @pl.when(ci2 > 0)
            def _():
                wait_writeback(1)

            compute(1)
            start_writeback(ci_b, 1)
            return carry

        lax.fori_loop(0, n2, loop_body, 0)
        wait_writeback(0)
        wait_writeback(1)

    return sc_kernel


@jax.jit
def kernel(input_ids, token_type_ids, word_embeddings, position_embeddings,
           token_type_embeddings, ln_gamma, ln_beta):
    bsz, seq = input_ids.shape
    vocab, emb = word_embeddings.shape
    n_tokens = bsz * seq
    per_w = n_tokens // _NW
    n_chunks = per_w // _CHUNK

    ids = input_ids.astype(jnp.int32).reshape(-1)
    tv = token_type_embeddings.shape[0]
    ptt = (position_embeddings[:seq, None, :]
           + token_type_embeddings[None, :, :]).reshape(seq * tv, emb)
    pids = (jnp.arange(seq, dtype=jnp.int32)[None, :] * tv
            + token_type_ids.astype(jnp.int32)).reshape(-1)
    packed = jnp.stack([ids.reshape(_NW, n_chunks, _CHUNK),
                        pids.reshape(_NW, n_chunks, _CHUNK)], axis=2)
    gb = jnp.stack([ln_gamma, ln_beta])

    sc = _make_sc_kernel(n_tokens, emb)
    out = sc(packed, word_embeddings, ptt, gb)
    return out.reshape(bsz, seq, emb)

# --- scband reference (transcript-rebuilt; emitter-appended) ---
"""Pipeline reference for scband-albert-embeddings-55336358643198 (READ-ONLY COPY).

The authoritative reference and input builder live on the scoring server;
editing this copy changes nothing except your own understanding.
"""

import jax, jax.numpy as jnp
import numpy as np

VOCAB = 100000
EMB = 128
MAX_POS = 512
TYPE_VOCAB = 2
B, L = 1024, 200
EPS = 1e-12


def setup_inputs(seed: int = 0) -> dict:
    key = jax.random.key(seed)
    k1, k2, k3, k4, k5 = jax.random.split(key, 5)
    input_ids = jax.random.randint(k1, (B, L), 0, VOCAB, dtype=jnp.int64) if jax.config.jax_enable_x64 else jax.random.randint(k1, (B, L), 0, VOCAB, dtype=jnp.int32)
    token_type_ids = jax.random.randint(k2, (B, L), 0, TYPE_VOCAB, dtype=jnp.int32)
    word_embeddings = jax.random.normal(k3, (VOCAB, EMB), dtype=jnp.float32) * 0.02
    position_embeddings = jax.random.normal(k4, (MAX_POS, EMB), dtype=jnp.float32) * 0.02
    token_type_embeddings = jax.random.normal(k5, (TYPE_VOCAB, EMB), dtype=jnp.float32) * 0.02
    ln_gamma = jnp.ones((EMB,), dtype=jnp.float32)
    ln_beta = jnp.zeros((EMB,), dtype=jnp.float32)
    return {
        "input_ids": input_ids,
        "token_type_ids": token_type_ids,
        "word_embeddings": word_embeddings,
        "position_embeddings": position_embeddings,
        "token_type_embeddings": token_type_embeddings,
        "ln_gamma": ln_gamma,
        "ln_beta": ln_beta,
    }


def reference(input_ids, token_type_ids, word_embeddings, position_embeddings, token_type_embeddings, ln_gamma, ln_beta):
    seq_length = input_ids.shape[1]
    # word embedding lookup (gather)
    inputs_embeds = jnp.take(word_embeddings, input_ids, axis=0)
    # token type embedding lookup (gather)
    tok_type_emb = jnp.take(token_type_embeddings, token_type_ids, axis=0)
    embeddings = inputs_embeds + tok_type_emb
    # absolute position embeddings: position_ids = arange(seq_length)
    position_ids = jnp.arange(seq_length)
    pos_emb = jnp.take(position_embeddings, position_ids, axis=0)
    embeddings = embeddings + pos_emb[None, :, :]
    # LayerNorm over last dim
    mean = jnp.mean(embeddings, axis=-1, keepdims=True)
    var = jnp.var(embeddings, axis=-1, keepdims=True)
    normed = (embeddings - mean) / jnp.sqrt(var + EPS)
    out = normed * ln_gamma + ln_beta
    # dropout is identity in eval / p=0
    return out

if __name__ == "__main__":
    import jax
    _d = setup_inputs()
    print(jax.jit(kernel)(*tuple(_d.values())))

</pallas_src>

<mosaic_0001>
#map = affine_map<(d0, d1) -> (0, 0, 0, 0)>
#map1 = affine_map<(d0, d1) -> (0, 0)>
module attributes {stable_mosaic.version = 14 : i64} {
  func.func @sc_kernel(%arg0: i32, %arg1: i32, %arg2: memref<32x50x2x128xi32, #tpu.memory_space<hbm>>, %arg3: memref<100000x128xf32, #tpu.memory_space<hbm>>, %arg4: memref<400x128xf32, #tpu.memory_space<hbm>>, %arg5: memref<2x128xf32, #tpu.memory_space<hbm>>, %arg6: memref<204800x128xf32, #tpu.memory_space<hbm>>, %arg7: memref<50x2x128xi32, #tpu.memory_space<vmem>>, %arg8: memref<128x128xf32, #tpu.memory_space<vmem>>, %arg9: memref<128x128xf32, #tpu.memory_space<vmem>>, %arg10: memref<128x128xf32, #tpu.memory_space<vmem>>, %arg11: memref<128x128xf32, #tpu.memory_space<vmem>>, %arg12: memref<128x128xf32, #tpu.memory_space<vmem>>, %arg13: memref<128x128xf32, #tpu.memory_space<vmem>>, %arg14: memref<2x128xf32, #tpu.memory_space<vmem>>, %arg15: memref<!tpu.dma_semaphore, #tpu.memory_space<semaphore_mem>>, %arg16: memref<!tpu.dma_semaphore, #tpu.memory_space<semaphore_mem>>, %arg17: memref<!tpu.dma_semaphore, #tpu.memory_space<semaphore_mem>>, %arg18: memref<!tpu.dma_semaphore, #tpu.memory_space<semaphore_mem>>, %arg19: memref<!tpu.dma_semaphore, #tpu.memory_space<semaphore_mem>>, %arg20: memref<!tpu.dma_semaphore, #tpu.memory_space<semaphore_mem>>) attributes {dimension_semantics = [#tpu.dimension_semantics<core_parallel>, #tpu.dimension_semantics<subcore_parallel>], iteration_bounds = array<i64: 2, 16>, scalar_prefetch = 0 : i64, scratch_operands = 14 : i64, tpu.core_type = #tpu.core_type<sc_vector_subcore>, window_params = [{transform_indices = #map}, {transform_indices = #map1}, {transform_indices = #map1}, {transform_indices = #map1}, {transform_indices = #map1}]} {
    %mul3A = arith.constant 2 : i32
    %mul3A_0 = arith.muli %arg1, %mul3A : i32
    %add3A = arith.addi %mul3A_0, %arg0 : i32
    %mul3A_1 = arith.constant 6400 : i32
    %mul3A_2 = arith.muli %add3A, %mul3A_1 : i32
    "tpu.region"() ({
      %run_scoped3A = tpu.sem_alloc : memref<!tpu.dma_semaphore, #tpu.memory_space<semaphore_mem>>
      tpu.enqueue_dma source(%arg5 : memref<2x128xf32, #tpu.memory_space<hbm>>) target(%arg14 : memref<2x128xf32, #tpu.memory_space<vmem>>) target_semaphore(%run_scoped3A : memref<!tpu.dma_semaphore, #tpu.memory_space<semaphore_mem>>)
      tpu.wait_dma2 semaphore(%run_scoped3A : memref<!tpu.dma_semaphore, #tpu.memory_space<semaphore_mem>>) src(%arg5 : memref<2x128xf32, #tpu.memory_space<hbm>>) dst(%arg14 : memref<2x128xf32, #tpu.memory_space<vmem>>)
      tpu.yield
    }) : () -> ()
    "tpu.region"() ({
      %run_scoped3A = tpu.sem_alloc : memref<!tpu.dma_semaphore, #tpu.memory_space<semaphore_mem>>
      %dma_start3A_93 = arith.constant 0 : i32
      %dma_start3A_94 = arith.constant 0 : i32
      %dma_start3A_95 = arith.constant 0 : i32
      %dma_start3A_96 = tpu.memref_slice %arg2[%add3A, %dma_start3A_93, %dma_start3A_94, %dma_start3A_95] : memref<32x50x2x128xi32, #tpu.memory_space<hbm>> -> memref<1x50x2x128xi32, #tpu.memory_space<hbm>>
      %dma_start3A_97 = tpu.memref_squeeze %dma_start3A_96 : memref<1x50x2x128xi32, #tpu.memory_space<hbm>> -> memref<50x2x128xi32, #tpu.memory_space<hbm>>
      %dma_start3A_98 = arith.constant 0 : i32
      %dma_start3A_99 = arith.constant 0 : i32
      %dma_start3A_100 = arith.constant 0 : i32
      %dma_start3A_101 = tpu.memref_slice %arg2[%add3A, %dma_start3A_98, %dma_start3A_99, %dma_start3A_100] : memref<32x50x2x128xi32, #tpu.memory_space<hbm>> -> memref<1x50x2x128xi32, #tpu.memory_space<hbm>>
      %dma_start3A_102 = tpu.memref_squeeze %dma_start3A_101 : memref<1x50x2x128xi32, #tpu.memory_space<hbm>> -> memref<50x2x128xi32, #tpu.memory_space<hbm>>
      tpu.enqueue_dma source(%dma_start3A_102 : memref<50x2x128xi32, #tpu.memory_space<hbm>>) target(%arg7 : memref<50x2x128xi32, #tpu.memory_space<vmem>>) target_semaphore(%run_scoped3A : memref<!tpu.dma_semaphore, #tpu.memory_space<semaphore_mem>>)
      %dma_wait3A_103 = arith.constant 0 : i32
      %dma_wait3A_104 = arith.constant 0 : i32
      %dma_wait3A_105 = arith.constant 0 : i32
      %dma_wait3A_106 = tpu.memref_slice %arg2[%add3A, %dma_wait3A_103, %dma_wait3A_104, %dma_wait3A_105] : memref<32x50x2x128xi32, #tpu.memory_space<hbm>> -> memref<1x50x2x128xi32, #tpu.memory_space<hbm>>
      %dma_wait3A_107 = tpu.memref_squeeze %dma_wait3A_106 : memref<1x50x2x128xi32, #tpu.memory_space<hbm>> -> memref<50x2x128xi32, #tpu.memory_space<hbm>>
      %dma_wait3A_108 = arith.constant 0 : i32
      %dma_wait3A_109 = arith.constant 0 : i32
      %dma_wait3A_110 = arith.constant 0 : i32
      %dma_wait3A_111 = tpu.memref_slice %arg2[%add3A, %dma_wait3A_108, %dma_wait3A_109, %dma_wait3A_110] : memref<32x50x2x128xi32, #tpu.memory_space<hbm>> -> memref<1x50x2x128xi32, #tpu.memory_space<hbm>>
      %dma_wait3A_112 = tpu.memref_squeeze %dma_wait3A_111 : memref<1x50x2x128xi32, #tpu.memory_space<hbm>> -> memref<50x2x128xi32, #tpu.memory_space<hbm>>
      tpu.wait_dma2 semaphore(%run_scoped3A : memref<!tpu.dma_semaphore, #tpu.memory_space<semaphore_mem>>) src(%dma_wait3A_112 : memref<50x2x128xi32, #tpu.memory_space<hbm>>) dst(%arg7 : memref<50x2x128xi32, #tpu.memory_space<vmem>>)
      tpu.yield
    }) : () -> ()
    %get3A = arith.constant 0 : i32
    %get3A_3 = arith.index_cast %get3A : i32 to index
    %get3A_4 = arith.constant 0 : index
    %get3A_5 = tpu.vector_load %arg14[%get3A_3, %get3A_4] {strides = array<i32>} : memref<2x128xf32, #tpu.memory_space<vmem>>, vector<16xf32>,
    %get3A_6 = arith.constant 0 : i32
    %get3A_7 = arith.index_cast %get3A_6 : i32 to index
    %get3A_8 = arith.constant 16 : index
    %get3A_9 = tpu.vector_load %arg14[%get3A_7, %get3A_8] {strides = array<i32>} : memref<2x128xf32, #tpu.memory_space<vmem>>, vector<16xf32>,
    %get3A_10 = arith.constant 0 : i32
    %get3A_11 = arith.index_cast %get3A_10 : i32 to index
    %get3A_12 = arith.constant 32 : index
    %get3A_13 = tpu.vector_load %arg14[%get3A_11, %get3A_12] {strides = array<i32>} : memref<2x128xf32, #tpu.memory_space<vmem>>, vector<16xf32>,
    %get3A_14 = arith.constant 0 : i32
    %get3A_15 = arith.index_cast %get3A_14 : i32 to index
    %get3A_16 = arith.constant 48 : index
    %get3A_17 = tpu.vector_load %arg14[%get3A_15, %get3A_16] {strides = array<i32>} : memref<2x128xf32, #tpu.memory_space<vmem>>, vector<16xf32>,
    %get3A_18 = arith.constant 0 : i32
    %get3A_19 = arith.index_cast %get3A_18 : i32 to index
    %get3A_20 = arith.constant 64 : index
    %get3A_21 = tpu.vector_load %arg14[%get3A_19, %get3A_20] {strides = array<i32>} : memref<2x128xf32, #tpu.memory_space<vmem>>, vector<16xf32>,
    %get3A_22 = arith.constant 0 : i32
    %get3A_23 = arith.index_cast %get3A_22 : i32 to index
    %get3A_24 = arith.constant 80 : index
    %get3A_25 = tpu.vector_load %arg14[%get3A_23, %get3A_24] {strides = array<i32>} : memref<2x128xf32, #tpu.memory_space<vmem>>, vector<16xf32>,
    %get3A_26 = arith.constant 0 : i32
    %get3A_27 = arith.index_cast %get3A_26 : i32 to index
    %get3A_28 = arith.constant 96 : index
    %get3A_29 = tpu.vector_load %arg14[%get3A_27, %get3A_28] {strides = array<i32>} : memref<2x128xf32, #tpu.memory_space<vmem>>, vector<16xf32>,
    %get3A_30 = arith.constant 0 : i32
    %get3A_31 = arith.index_cast %get3A_30 : i32 to index
    %get3A_32 = arith.constant 112 : index
    %get3A_33 = tpu.vector_load %arg14[%get3A_31, %get3A_32] {strides = array<i32>} : memref<2x128xf32, #tpu.memory_space<vmem>>, vector<16xf32>,
    %get3A_34 = arith.constant 1 : i32
    %get3A_35 = arith.index_cast %get3A_34 : i32 to index
    %get3A_36 = arith.constant 0 : index
    %get3A_37 = tpu.vector_load %arg14[%get3A_35, %get3A_36] {strides = array<i32>} : memref<2x128xf32, #tpu.memory_space<vmem>>, vector<16xf32>,
    %get3A_38 = arith.constant 1 : i32
    %get3A_39 = arith.index_cast %get3A_38 : i32 to index
    %get3A_40 = arith.constant 16 : index
    %get3A_41 = tpu.vector_load %arg14[%get3A_39, %get3A_40] {strides = array<i32>} : memref<2x128xf32, #tpu.memory_space<vmem>>, vector<16xf32>,
    %get3A_42 = arith.constant 1 : i32
    %get3A_43 = arith.index_cast %get3A_42 : i32 to index
    %get3A_44 = arith.constant 32 : index
    %get3A_45 = tpu.vector_load %arg14[%get3A_43, %get3A_44] {strides = array<i32>} : memref<2x128xf32, #tpu.memory_space<vmem>>, vector<16xf32>,
    %get3A_46 = arith.constant 1 : i32
    %get3A_47 = arith.index_cast %get3A_46 : i32 to index
    %get3A_48 = arith.constant 48 : index
    %get3A_49 = tpu.vector_load %arg14[%get3A_47, %get3A_48] {strides = array<i32>} : memref<2x128xf32, #tpu.memory_space<vmem>>, vector<16xf32>,
    %get3A_50 = arith.constant 1 : i32
    %get3A_51 = arith.index_cast %get3A_50 : i32 to index
    %get3A_52 = arith.constant 64 : index
    %get3A_53 = tpu.vector_load %arg14[%get3A_51, %get3A_52] {strides = array<i32>} : memref<2x128xf32, #tpu.memory_space<vmem>>, vector<16xf32>,
    %get3A_54 = arith.constant 1 : i32
    %get3A_55 = arith.index_cast %get3A_54 : i32 to index
    %get3A_56 = arith.constant 80 : index
    %get3A_57 = tpu.vector_load %arg14[%get3A_55, %get3A_56] {strides = array<i32>} : memref<2x128xf32, #tpu.memory_space<vmem>>, vector<16xf32>,
    %get3A_58 = arith.constant 1 : i32
    %get3A_59 = arith.index_cast %get3A_58 : i32 to index
    %get3A_60 = arith.constant 96 : index
    %get3A_61 = tpu.vector_load %arg14[%get3A_59, %get3A_60] {strides = array<i32>} : memref<2x128xf32, #tpu.memory_space<vmem>>, vector<16xf32>,
    %get3A_62 = arith.constant 1 : i32
    %get3A_63 = arith.index_cast %get3A_62 : i32 to index
    %get3A_64 = arith.constant 112 : index
    %get3A_65 = tpu.vector_load %arg14[%get3A_63, %get3A_64] {strides = array<i32>} : memref<2x128xf32, #tpu.memory_space<vmem>>, vector<16xf32>,
    %dma_start3A = arith.constant 0 : i32
    %dma_start3A_66 = arith.constant 0 : i32
    %dma_start3A_67 = arith.constant 0 : i32
    %dma_start3A_68 = tpu.memref_slice %arg7[%dma_start3A, %dma_start3A_66, %dma_start3A_67] : memref<50x2x128xi32, #tpu.memory_space<vmem>> -> memref<1x1x128xi32, #tpu.memory_space<vmem>>
    %dma_start3A_69 = tpu.memref_squeeze %dma_start3A_68 : memref<1x1x128xi32, #tpu.memory_space<vmem>> -> memref<128xi32, #tpu.memory_space<vmem>>
    %dma_start3A_70 = arith.constant 0 : i32
    %dma_start3A_71 = arith.constant 0 : i32
    %dma_start3A_72 = tpu.memref_slice %arg3[%dma_start3A_70, %dma_start3A_71] : memref<100000x128xf32, #tpu.memory_space<hbm>> -> memref<100000x128xf32, #tpu.memory_space<hbm>>
    tpu.enqueue_indirect_dma source(%dma_start3A_72 : memref<100000x128xf32, #tpu.memory_space<hbm>>) target(%arg8 : memref<128x128xf32, #tpu.memory_space<vmem>>) offsets(%dma_start3A_69 : memref<128xi32, #tpu.memory_space<vmem>>) semaphore(%arg15 : memref<!tpu.dma_semaphore, #tpu.memory_space<semaphore_mem>>)
    %dma_start3A_73 = arith.constant 0 : i32
    %dma_start3A_74 = arith.constant 1 : i32
    %dma_start3A_75 = arith.constant 0 : i32
    %dma_start3A_76 = tpu.memref_slice %arg7[%dma_start3A_73, %dma_start3A_74, %dma_start3A_75] : memref<50x2x128xi32, #tpu.memory_space<vmem>> -> memref<1x1x128xi32, #tpu.memory_space<vmem>>
    %dma_start3A_77 = tpu.memref_squeeze %dma_start3A_76 : memref<1x1x128xi32, #tpu.memory_space<vmem>> -> memref<128xi32, #tpu.memory_space<vmem>>
    %dma_start3A_78 = arith.constant 0 : i32
    %dma_start3A_79 = arith.constant 0 : i32
    %dma_start3A_80 = tpu.memref_slice %arg4[%dma_start3A_78, %dma_start3A_79] : memref<400x128xf32, #tpu.memory_space<hbm>> -> memref<400x128xf32, #tpu.memory_space<hbm>>
    tpu.enqueue_indirect_dma source(%dma_start3A_80 : memref<400x128xf32, #tpu.memory_space<hbm>>) target(%arg10 : memref<128x128xf32, #tpu.memory_space<vmem>>) offsets(%dma_start3A_77 : memref<128xi32, #tpu.memory_space<vmem>>) semaphore(%arg17 : memref<!tpu.dma_semaphore, #tpu.memory_space<semaphore_mem>>)
    %scan3A = arith.constant 0 : i32
    %scan3A_81 = arith.constant 0 : i32
    %scan3A_82 = arith.constant 25 : i32
    %scan3A_83 = arith.addi %scan3A_81, %scan3A_82 : i32
    %scan3A_84 = arith.constant 1 : i32
    scf.for %scan3A_93 = %scan3A_81 to %scan3A_83 step %scan3A_84  : i32 {
      %mul3A_94 = arith.constant 2 : i32
      %mul3A_95 = arith.muli %scan3A_93, %mul3A_94 : i32
      %add3A_96 = arith.constant 1 : i32
      %add3A_97 = arith.addi %mul3A_95, %add3A_96 : i32
      %dma_start3A_98 = arith.constant 0 : i32
      %dma_start3A_99 = arith.constant 0 : i32
      %dma_start3A_100 = tpu.memref_slice %arg7[%add3A_97, %dma_start3A_98, %dma_start3A_99] : memref<50x2x128xi32, #tpu.memory_space<vmem>> -> memref<1x1x128xi32, #tpu.memory_space<vmem>>
      %dma_start3A_101 = tpu.memref_squeeze %dma_start3A_100 : memref<1x1x128xi32, #tpu.memory_space<vmem>> -> memref<128xi32, #tpu.memory_space<vmem>>
      %dma_start3A_102 = arith.constant 0 : i32
      %dma_start3A_103 = arith.constant 0 : i32
      %dma_start3A_104 = tpu.memref_slice %arg3[%dma_start3A_102, %dma_start3A_103] : memref<100000x128xf32, #tpu.memory_space<hbm>> -> memref<100000x128xf32, #tpu.memory_space<hbm>>
      tpu.enqueue_indirect_dma source(%dma_start3A_104 : memref<100000x128xf32, #tpu.memory_space<hbm>>) target(%arg9 : memref<128x128xf32, #tpu.memory_space<vmem>>) offsets(%dma_start3A_101 : memref<128xi32, #tpu.memory_space<vmem>>) semaphore(%arg16 : memref<!tpu.dma_semaphore, #tpu.memory_space<semaphore_mem>>)
      %dma_start3A_105 = arith.constant 1 : i32
      %dma_start3A_106 = arith.constant 0 : i32
      %dma_start3A_107 = tpu.memref_slice %arg7[%add3A_97, %dma_start3A_105, %dma_start3A_106] : memref<50x2x128xi32, #tpu.memory_space<vmem>> -> memref<1x1x128xi32, #tpu.memory_space<vmem>>
      %dma_start3A_108 = tpu.memref_squeeze %dma_start3A_107 : memref<1x1x128xi32, #tpu.memory_space<vmem>> -> memref<128xi32, #tpu.memory_space<vmem>>
      %dma_start3A_109 = arith.constant 0 : i32
      %dma_start3A_110 = arith.constant 0 : i32
      %dma_start3A_111 = tpu.memref_slice %arg4[%dma_start3A_109, %dma_start3A_110] : memref<400x128xf32, #tpu.memory_space<hbm>> -> memref<400x128xf32, #tpu.memory_space<hbm>>
      tpu.enqueue_indirect_dma source(%dma_start3A_111 : memref<400x128xf32, #tpu.memory_space<hbm>>) target(%arg11 : memref<128x128xf32, #tpu.memory_space<vmem>>) offsets(%dma_start3A_108 : memref<128xi32, #tpu.memory_space<vmem>>) semaphore(%arg18 : memref<!tpu.dma_semaphore, #tpu.memory_space<semaphore_mem>>)
      %dma_wait3A_112 = arith.constant 0 : i32
      %dma_wait3A_113 = arith.constant 0 : i32
      %dma_wait3A_114 = tpu.memref_slice %arg7[%mul3A_95, %dma_wait3A_112, %dma_wait3A_113] : memref<50x2x128xi32, #tpu.memory_space<vmem>> -> memref<1x1x128xi32, #tpu.memory_space<vmem>>
      %dma_wait3A_115 = tpu.memref_squeeze %dma_wait3A_114 : memref<1x1x128xi32, #tpu.memory_space<vmem>> -> memref<128xi32, #tpu.memory_space<vmem>>
      %dma_wait3A_116 = arith.constant 0 : i32
      %dma_wait3A_117 = arith.constant 0 : i32
      %dma_wait3A_118 = tpu.memref_slice %arg3[%dma_wait3A_116, %dma_wait3A_117] : memref<100000x128xf32, #tpu.memory_space<hbm>> -> memref<100000x128xf32, #tpu.memory_space<hbm>>
      tpu.wait_indirect_dma semaphore(%arg15 : memref<!tpu.dma_semaphore, #tpu.memory_space<semaphore_mem>>) src(%dma_wait3A_118 : memref<100000x128xf32, #tpu.memory_space<hbm>>) dst(%arg8 : memref<128x128xf32, #tpu.memory_space<vmem>>)
      %dma_wait3A_119 = arith.constant 1 : i32
      %dma_wait3A_120 = arith.constant 0 : i32
      %dma_wait3A_121 = tpu.memref_slice %arg7[%mul3A_95, %dma_wait3A_119, %dma_wait3A_120] : memref<50x2x128xi32, #tpu.memory_space<vmem>> -> memref<1x1x128xi32, #tpu.memory_space<vmem>>
      %dma_wait3A_122 = tpu.memref_squeeze %dma_wait3A_121 : memref<1x1x128xi32, #tpu.memory_space<vmem>> -> memref<128xi32, #tpu.memory_space<vmem>>
      %dma_wait3A_123 = arith.constant 0 : i32
      %dma_wait3A_124 = arith.constant 0 : i32
      %dma_wait3A_125 = tpu.memref_slice %arg4[%dma_wait3A_123, %dma_wait3A_124] : memref<400x128xf32, #tpu.memory_space<hbm>> -> memref<400x128xf32, #tpu.memory_space<hbm>>
      tpu.wait_indirect_dma semaphore(%arg17 : memref<!tpu.dma_semaphore, #tpu.memory_space<semaphore_mem>>) src(%dma_wait3A_125 : memref<400x128xf32, #tpu.memory_space<hbm>>) dst(%arg10 : memref<128x128xf32, #tpu.memory_space<vmem>>)
      %gt3A = arith.constant 0 : i32
      %gt3A_126 = arith.cmpi sgt, %scan3A_93, %gt3A : i32
      %convert_element_type3A = arith.extui %gt3A_126 : i1 to i32
      %cond3A = arith.constant 0 : i32
      %cond3A_127 = arith.cmpi ne, %convert_element_type3A, %cond3A : i32
      scf.if %cond3A_127 {
        %dma_wait3A_177 = arith.constant 0 : i32
        %dma_wait3A_178 = tpu.memref_slice %arg6[%mul3A_2, %dma_wait3A_177] : memref<204800x128xf32, #tpu.memory_space<hbm>> -> memref<128x128xf32, #tpu.memory_space<hbm>>
        %dma_wait3A_179 = arith.constant 0 : i32
        %dma_wait3A_180 = tpu.memref_slice %arg6[%mul3A_2, %dma_wait3A_179] : memref<204800x128xf32, #tpu.memory_space<hbm>> -> memref<128x128xf32, #tpu.memory_space<hbm>>
        tpu.wait_dma2 semaphore(%arg19 : memref<!tpu.dma_semaphore, #tpu.memory_space<semaphore_mem>>) src(%arg12 : memref<128x128xf32, #tpu.memory_space<vmem>>) dst(%dma_wait3A_180 : memref<128x128xf32, #tpu.memory_space<hbm>>)
      } else {
      }
      %scan3A_128 = arith.constant 0 : i32
      %scan3A_129 = arith.constant 0 : i32
      %scan3A_130 = arith.constant 64 : i32
      %scan3A_131 = arith.addi %scan3A_129, %scan3A_130 : i32
      %scan3A_132 = arith.constant 1 : i32
      scf.for %scan3A_177 = %scan3A_129 to %scan3A_131 step %scan3A_132  : i32 {
        %mul3A_178 = arith.constant 2 : i32
        %mul3A_179 = arith.muli %scan3A_177, %mul3A_178 : i32
        %add3A_180 = arith.constant 0 : i32
        %add3A_181 = arith.addi %mul3A_179, %add3A_180 : i32
        %get3A_182 = arith.index_cast %add3A_181 : i32 to index
        %get3A_183 = arith.constant 0 : index
        %get3A_184 = tpu.vector_load %arg8[%get3A_182, %get3A_183] {strides = array<i32>} : memref<128x128xf32, #tpu.memory_space<vmem>>, vector<16xf32>,
        %get3A_185 = arith.index_cast %add3A_181 : i32 to index
        %get3A_186 = arith.constant 0 : index
        %get3A_187 = tpu.vector_load %arg10[%get3A_185, %get3A_186] {strides = array<i32>} : memref<128x128xf32, #tpu.memory_space<vmem>>, vector<16xf32>,
        %add3A_188 = arith.addf %get3A_184, %get3A_187 : vector<16xf32>
        %get3A_189 = arith.index_cast %add3A_181 : i32 to index
        %get3A_190 = arith.constant 16 : index
        %get3A_191 = tpu.vector_load %arg8[%get3A_189, %get3A_190] {strides = array<i32>} : memref<128x128xf32, #tpu.memory_space<vmem>>, vector<16xf32>,
        %get3A_192 = arith.index_cast %add3A_181 : i32 to index
        %get3A_193 = arith.constant 16 : index
        %get3A_194 = tpu.vector_load %arg10[%get3A_192, %get3A_193] {strides = array<i32>} : memref<128x128xf32, #tpu.memory_space<vmem>>, vector<16xf32>,
        %add3A_195 = arith.addf %get3A_191, %get3A_194 : vector<16xf32>
        %get3A_196 = arith.index_cast %add3A_181 : i32 to index
        %get3A_197 = arith.constant 32 : index
        %get3A_198 = tpu.vector_load %arg8[%get3A_196, %get3A_197] {strides = array<i32>} : memref<128x128xf32, #tpu.memory_space<vmem>>, vector<16xf32>,
        %get3A_199 = arith.index_cast %add3A_181 : i32 to index
        %get3A_200 = arith.constant 32 : index
        %get3A_201 = tpu.vector_load %arg10[%get3A_199, %get3A_200] {strides = array<i32>} : memref<128x128xf32, #tpu.memory_space<vmem>>, vector<16xf32>,
        %add3A_202 = arith.addf %get3A_198, %get3A_201 : vector<16xf32>
        %get3A_203 = arith.index_cast %add3A_181 : i32 to index
        %get3A_204 = arith.constant 48 : index
        %get3A_205 = tpu.vector_load %arg8[%get3A_203, %get3A_204] {strides = array<i32>} : memref<128x128xf32, #tpu.memory_space<vmem>>, vector<16xf32>,
        %get3A_206 = arith.index_cast %add3A_181 : i32 to index
        %get3A_207 = arith.constant 48 : index
        %get3A_208 = tpu.vector_load %arg10[%get3A_206, %get3A_207] {strides = array<i32>} : memref<128x128xf32, #tpu.memory_space<vmem>>, vector<16xf32>,
        %add3A_209 = arith.addf %get3A_205, %get3A_208 : vector<16xf32>
        %get3A_210 = arith.index_cast %add3A_181 : i32 to index
        %get3A_211 = arith.constant 64 : index
        %get3A_212 = tpu.vector_load %arg8[%get3A_210, %get3A_211] {strides = array<i32>} : memref<128x128xf32, #tpu.memory_space<vmem>>, vector<16xf32>,
        %get3A_213 = arith.index_cast %add3A_181 : i32 to index
        %get3A_214 = arith.constant 64 : index
        %get3A_215 = tpu.vector_load %arg10[%get3A_213, %get3A_214] {strides = array<i32>} : memref<128x128xf32, #tpu.memory_space<vmem>>, vector<16xf32>,
        %add3A_216 = arith.addf %get3A_212, %get3A_215 : vector<16xf32>
        %get3A_217 = arith.index_cast %add3A_181 : i32 to index
        %get3A_218 = arith.constant 80 : index
        %get3A_219 = tpu.vector_load %arg8[%get3A_217, %get3A_218] {strides = array<i32>} : memref<128x128xf32, #tpu.memory_space<vmem>>, vector<16xf32>,
        %get3A_220 = arith.index_cast %add3A_181 : i32 to index
        %get3A_221 = arith.constant 80 : index
        %get3A_222 = tpu.vector_load %arg10[%get3A_220, %get3A_221] {strides = array<i32>} : memref<128x128xf32, #tpu.memory_space<vmem>>, vector<16xf32>,
        %add3A_223 = arith.addf %get3A_219, %get3A_222 : vector<16xf32>
        %get3A_224 = arith.index_cast %add3A_181 : i32 to index
        %get3A_225 = arith.constant 96 : index
        %get3A_226 = tpu.vector_load %arg8[%get3A_224, %get3A_225] {strides = array<i32>} : memref<128x128xf32, #tpu.memory_space<vmem>>, vector<16xf32>,
        %get3A_227 = arith.index_cast %add3A_181 : i32 to index
        %get3A_228 = arith.constant 96 : index
        %get3A_229 = tpu.vector_load %arg10[%get3A_227, %get3A_228] {strides = array<i32>} : memref<128x128xf32, #tpu.memory_space<vmem>>, vector<16xf32>,
        %add3A_230 = arith.addf %get3A_226, %get3A_229 : vector<16xf32>
        %get3A_231 = arith.index_cast %add3A_181 : i32 to index
        %get3A_232 = arith.constant 112 : index
        %get3A_233 = tpu.vector_load %arg8[%get3A_231, %get3A_232] {strides = array<i32>} : memref<128x128xf32, #tpu.memory_space<vmem>>, vector<16xf32>,
        %get3A_234 = arith.index_cast %add3A_181 : i32 to index
        %get3A_235 = arith.constant 112 : index
        %get3A_236 = tpu.vector_load %arg10[%get3A_234, %get3A_235] {strides = array<i32>} : memref<128x128xf32, #tpu.memory_space<vmem>>, vector<16xf32>,
        %add3A_237 = arith.addf %get3A_233, %get3A_236 : vector<16xf32>
        %mul3A_238 = arith.mulf %add3A_188, %add3A_188 : vector<16xf32>
        %add3A_239 = arith.addf %add3A_188, %add3A_195 : vector<16xf32>
        %mul3A_240 = arith.mulf %add3A_195, %add3A_195 : vector<16xf32>
        %add3A_241 = arith.addf %mul3A_238, %mul3A_240 : vector<16xf32>
        %add3A_242 = arith.addf %add3A_239, %add3A_202 : vector<16xf32>
        %mul3A_243 = arith.mulf %add3A_202, %add3A_202 : vector<16xf32>
        %add3A_244 = arith.addf %add3A_241, %mul3A_243 : vector<16xf32>
        %add3A_245 = arith.addf %add3A_242, %add3A_209 : vector<16xf32>
        %mul3A_246 = arith.mulf %add3A_209, %add3A_209 : vector<16xf32>
        %add3A_247 = arith.addf %add3A_244, %mul3A_246 : vector<16xf32>
        %add3A_248 = arith.addf %add3A_245, %add3A_216 : vector<16xf32>
        %mul3A_249 = arith.mulf %add3A_216, %add3A_216 : vector<16xf32>
        %add3A_250 = arith.addf %add3A_247, %mul3A_249 : vector<16xf32>
        %add3A_251 = arith.addf %add3A_248, %add3A_223 : vector<16xf32>
        %mul3A_252 = arith.mulf %add3A_223, %add3A_223 : vector<16xf32>
        %add3A_253 = arith.addf %add3A_250, %mul3A_252 : vector<16xf32>
        %add3A_254 = arith.addf %add3A_251, %add3A_230 : vector<16xf32>
        %mul3A_255 = arith.mulf %add3A_230, %add3A_230 : vector<16xf32>
        %add3A_256 = arith.addf %add3A_253, %mul3A_255 : vector<16xf32>
        %add3A_257 = arith.addf %add3A_254, %add3A_237 : vector<16xf32>
        %mul3A_258 = arith.mulf %add3A_237, %add3A_237 : vector<16xf32>
        %add3A_259 = arith.addf %add3A_256, %mul3A_258 : vector<16xf32>
        %iota3A = tpu.iota {dimensions = array<i32: 0>} : vector<16xi32>
        %xor3A = arith.constant 1 : i32
        %xor3A_260 = vector.broadcast %xor3A : i32 to vector<16xi32>
        %xor3A_261 = arith.xori %iota3A, %xor3A_260 : vector<16xi32>
        %broadcast_in_dim3A = vector.shape_cast %xor3A_261 : vector<16xi32> to vector<16x1xi32>
        %gather3A = vector.shape_cast %broadcast_in_dim3A : vector<16x1xi32> to vector<16xi32>
        %gather3A_262 = tpu.dynamic_gather %add3A_257[%gather3A] in [0] : vector<16xf32>, vector<16xi32> -> vector<16xf32>
        %add3A_263 = arith.addf %add3A_257, %gather3A_262 : vector<16xf32>
        %xor3A_264 = arith.constant 2 : i32
        %xor3A_265 = vector.broadcast %xor3A_264 : i32 to vector<16xi32>
        %xor3A_266 = arith.xori %iota3A, %xor3A_265 : vector<16xi32>
        %broadcast_in_dim3A_267 = vector.shape_cast %xor3A_266 : vector<16xi32> to vector<16x1xi32>
        %gather3A_268 = vector.shape_cast %broadcast_in_dim3A_267 : vector<16x1xi32> to vector<16xi32>
        %gather3A_269 = tpu.dynamic_gather %add3A_263[%gather3A_268] in [0] : vector<16xf32>, vector<16xi32> -> vector<16xf32>
        %add3A_270 = arith.addf %add3A_263, %gather3A_269 : vector<16xf32>
        %xor3A_271 = arith.constant 4 : i32
        %xor3A_272 = vector.broadcast %xor3A_271 : i32 to vector<16xi32>
        %xor3A_273 = arith.xori %iota3A, %xor3A_272 : vector<16xi32>
        %broadcast_in_dim3A_274 = vector.shape_cast %xor3A_273 : vector<16xi32> to vector<16x1xi32>
        %gather3A_275 = vector.shape_cast %broadcast_in_dim3A_274 : vector<16x1xi32> to vector<16xi32>
        %gather3A_276 = tpu.dynamic_gather %add3A_270[%gather3A_275] in [0] : vector<16xf32>, vector<16xi32> -> vector<16xf32>
        %add3A_277 = arith.addf %add3A_270, %gather3A_276 : vector<16xf32>
        %xor3A_278 = arith.constant 8 : i32
        %xor3A_279 = vector.broadcast %xor3A_278 : i32 to vector<16xi32>
        %xor3A_280 = arith.xori %iota3A, %xor3A_279 : vector<16xi32>
        %broadcast_in_dim3A_281 = vector.shape_cast %xor3A_280 : vector<16xi32> to vector<16x1xi32>
        %gather3A_282 = vector.shape_cast %broadcast_in_dim3A_281 : vector<16x1xi32> to vector<16xi32>
        %gather3A_283 = tpu.dynamic_gather %add3A_277[%gather3A_282] in [0] : vector<16xf32>, vector<16xi32> -> vector<16xf32>
        %add3A_284 = arith.addf %add3A_277, %gather3A_283 : vector<16xf32>
        %mul3A_285 = arith.constant 7.812500e-03 : f32
        %mul3A_286 = vector.broadcast %mul3A_285 : f32 to vector<16xf32>
        %mul3A_287 = arith.mulf %add3A_284, %mul3A_286 : vector<16xf32>
        %iota3A_288 = tpu.iota {dimensions = array<i32: 0>} : vector<16xi32>
        %xor3A_289 = arith.constant 1 : i32
        %xor3A_290 = vector.broadcast %xor3A_289 : i32 to vector<16xi32>
        %xor3A_291 = arith.xori %iota3A_288, %xor3A_290 : vector<16xi32>
        %broadcast_in_dim3A_292 = vector.shape_cast %xor3A_291 : vector<16xi32> to vector<16x1xi32>
        %gather3A_293 = vector.shape_cast %broadcast_in_dim3A_292 : vector<16x1xi32> to vector<16xi32>
        %gather3A_294 = tpu.dynamic_gather %add3A_259[%gather3A_293] in [0] : vector<16xf32>, vector<16xi32> -> vector<16xf32>
        %add3A_295 = arith.addf %add3A_259, %gather3A_294 : vector<16xf32>
        %xor3A_296 = arith.constant 2 : i32
        %xor3A_297 = vector.broadcast %xor3A_296 : i32 to vector<16xi32>
        %xor3A_298 = arith.xori %iota3A_288, %xor3A_297 : vector<16xi32>
        %broadcast_in_dim3A_299 = vector.shape_cast %xor3A_298 : vector<16xi32> to vector<16x1xi32>
        %gather3A_300 = vector.shape_cast %broadcast_in_dim3A_299 : vector<16x1xi32> to vector<16xi32>
        %gather3A_301 = tpu.dynamic_gather %add3A_295[%gather3A_300] in [0] : vector<16xf32>, vector<16xi32> -> vector<16xf32>
        %add3A_302 = arith.addf %add3A_295, %gather3A_301 : vector<16xf32>
        %xor3A_303 = arith.constant 4 : i32
        %xor3A_304 = vector.broadcast %xor3A_303 : i32 to vector<16xi32>
        %xor3A_305 = arith.xori %iota3A_288, %xor3A_304 : vector<16xi32>
        %broadcast_in_dim3A_306 = vector.shape_cast %xor3A_305 : vector<16xi32> to vector<16x1xi32>
        %gather3A_307 = vector.shape_cast %broadcast_in_dim3A_306 : vector<16x1xi32> to vector<16xi32>
        %gather3A_308 = tpu.dynamic_gather %add3A_302[%gather3A_307] in [0] : vector<16xf32>, vector<16xi32> -> vector<16xf32>
        %add3A_309 = arith.addf %add3A_302, %gather3A_308 : vector<16xf32>
        %xor3A_310 = arith.constant 8 : i32
        %xor3A_311 = vector.broadcast %xor3A_310 : i32 to vector<16xi32>
        %xor3A_312 = arith.xori %iota3A_288, %xor3A_311 : vector<16xi32>
        %broadcast_in_dim3A_313 = vector.shape_cast %xor3A_312 : vector<16xi32> to vector<16x1xi32>
        %gather3A_314 = vector.shape_cast %broadcast_in_dim3A_313 : vector<16x1xi32> to vector<16xi32>
        %gather3A_315 = tpu.dynamic_gather %add3A_309[%gather3A_314] in [0] : vector<16xf32>, vector<16xi32> -> vector<16xf32>
        %add3A_316 = arith.addf %add3A_309, %gather3A_315 : vector<16xf32>
        %mul3A_317 = arith.constant 7.812500e-03 : f32
        %mul3A_318 = vector.broadcast %mul3A_317 : f32 to vector<16xf32>
        %mul3A_319 = arith.mulf %add3A_316, %mul3A_318 : vector<16xf32>
        %mul3A_320 = arith.mulf %mul3A_287, %mul3A_287 : vector<16xf32>
        %sub3A = arith.subf %mul3A_319, %mul3A_320 : vector<16xf32>
        %add3A_321 = arith.constant 9.99999996E-13 : f32
        %add3A_322 = vector.broadcast %add3A_321 : f32 to vector<16xf32>
        %add3A_323 = arith.addf %sub3A, %add3A_322 : vector<16xf32>
        %bitcast3A = vector.bitcast %add3A_323 : vector<16xf32> to vector<16xi32>
        %shift_right_arithmetic3A = arith.constant 1 : i32
        %shift_right_arithmetic3A_324 = vector.broadcast %shift_right_arithmetic3A : i32 to vector<16xi32>
        %shift_right_arithmetic3A_325 = arith.shrsi %bitcast3A, %shift_right_arithmetic3A_324 : vector<16xi32>
        %sub3A_326 = arith.constant 1597463007 : i32
        %sub3A_327 = vector.broadcast %sub3A_326 : i32 to vector<16xi32>
        %sub3A_328 = arith.subi %sub3A_327, %shift_right_arithmetic3A_325 : vector<16xi32>
        %bitcast3A_329 = vector.bitcast %sub3A_328 : vector<16xi32> to vector<16xf32>
        %mul3A_330 = arith.constant 5.000000e-01 : f32
        %mul3A_331 = vector.broadcast %mul3A_330 : f32 to vector<16xf32>
        %mul3A_332 = arith.mulf %mul3A_331, %add3A_323 : vector<16xf32>
        %mul3A_333 = arith.mulf %mul3A_332, %bitcast3A_329 : vector<16xf32>
        %mul3A_334 = arith.mulf %mul3A_333, %bitcast3A_329 : vector<16xf32>
        %sub3A_335 = arith.constant 1.500000e+00 : f32
        %sub3A_336 = vector.broadcast %sub3A_335 : f32 to vector<16xf32>
        %sub3A_337 = arith.subf %sub3A_336, %mul3A_334 : vector<16xf32>
        %mul3A_338 = arith.mulf %bitcast3A_329, %sub3A_337 : vector<16xf32>
        %mul3A_339 = arith.constant 5.000000e-01 : f32
        %mul3A_340 = vector.broadcast %mul3A_339 : f32 to vector<16xf32>
        %mul3A_341 = arith.mulf %mul3A_340, %add3A_323 : vector<16xf32>
        %mul3A_342 = arith.mulf %mul3A_341, %mul3A_338 : vector<16xf32>
        %mul3A_343 = arith.mulf %mul3A_342, %mul3A_338 : vector<16xf32>
        %sub3A_344 = arith.constant 1.500000e+00 : f32
        %sub3A_345 = vector.broadcast %sub3A_344 : f32 to vector<16xf32>
        %sub3A_346 = arith.subf %sub3A_345, %mul3A_343 : vector<16xf32>
        %mul3A_347 = arith.mulf %mul3A_338, %sub3A_346 : vector<16xf32>
        %sub3A_348 = arith.subf %add3A_188, %mul3A_287 : vector<16xf32>
        %mul3A_349 = arith.mulf %sub3A_348, %mul3A_347 : vector<16xf32>
        %mul3A_350 = arith.mulf %mul3A_349, %get3A_5 : vector<16xf32>
        %add3A_351 = arith.addf %mul3A_350, %get3A_37 : vector<16xf32>
        %swap3A = arith.index_cast %add3A_181 : i32 to index
        %swap3A_352 = arith.constant 0 : index
        %swap3A_353 = tpu.vector_load %arg12[%swap3A, %swap3A_352] {strides = array<i32>} : memref<128x128xf32, #tpu.memory_space<vmem>>, vector<16xf32>,
        tpu.vector_store %arg12[%swap3A, %swap3A_352], %add3A_351 {strides = array<i32>} : memref<128x128xf32, #tpu.memory_space<vmem>>, vector<16xf32>,
        %sub3A_354 = arith.subf %add3A_195, %mul3A_287 : vector<16xf32>
        %mul3A_355 = arith.mulf %sub3A_354, %mul3A_347 : vector<16xf32>
        %mul3A_356 = arith.mulf %mul3A_355, %get3A_9 : vector<16xf32>
        %add3A_357 = arith.addf %mul3A_356, %get3A_41 : vector<16xf32>
        %swap3A_358 = arith.index_cast %add3A_181 : i32 to index
        %swap3A_359 = arith.constant 16 : index
        %swap3A_360 = tpu.vector_load %arg12[%swap3A_358, %swap3A_359] {strides = array<i32>} : memref<128x128xf32, #tpu.memory_space<vmem>>, vector<16xf32>,
        tpu.vector_store %arg12[%swap3A_358, %swap3A_359], %add3A_357 {strides = array<i32>} : memref<128x128xf32, #tpu.memory_space<vmem>>, vector<16xf32>,
        %sub3A_361 = arith.subf %add3A_202, %mul3A_287 : vector<16xf32>
        %mul3A_362 = arith.mulf %sub3A_361, %mul3A_347 : vector<16xf32>
        %mul3A_363 = arith.mulf %mul3A_362, %get3A_13 : vector<16xf32>
        %add3A_364 = arith.addf %mul3A_363, %get3A_45 : vector<16xf32>
        %swap3A_365 = arith.index_cast %add3A_181 : i32 to index
        %swap3A_366 = arith.constant 32 : index
        %swap3A_367 = tpu.vector_load %arg12[%swap3A_365, %swap3A_366] {strides = array<i32>} : memref<128x128xf32, #tpu.memory_space<vmem>>, vector<16xf32>,
        tpu.vector_store %arg12[%swap3A_365, %swap3A_366], %add3A_364 {strides = array<i32>} : memref<128x128xf32, #tpu.memory_space<vmem>>, vector<16xf32>,
        %sub3A_368 = arith.subf %add3A_209, %mul3A_287 : vector<16xf32>
        %mul3A_369 = arith.mulf %sub3A_368, %mul3A_347 : vector<16xf32>
        %mul3A_370 = arith.mulf %mul3A_369, %get3A_17 : vector<16xf32>
        %add3A_371 = arith.addf %mul3A_370, %get3A_49 : vector<16xf32>
        %swap3A_372 = arith.index_cast %add3A_181 : i32 to index
        %swap3A_373 = arith.constant 48 : index
        %swap3A_374 = tpu.vector_load %arg12[%swap3A_372, %swap3A_373] {strides = array<i32>} : memref<128x128xf32, #tpu.memory_space<vmem>>, vector<16xf32>,
        tpu.vector_store %arg12[%swap3A_372, %swap3A_373], %add3A_371 {strides = array<i32>} : memref<128x128xf32, #tpu.memory_space<vmem>>, vector<16xf32>,
        %sub3A_375 = arith.subf %add3A_216, %mul3A_287 : vector<16xf32>
        %mul3A_376 = arith.mulf %sub3A_375, %mul3A_347 : vector<16xf32>
        %mul3A_377 = arith.mulf %mul3A_376, %get3A_21 : vector<16xf32>
        %add3A_378 = arith.addf %mul3A_377, %get3A_53 : vector<16xf32>
        %swap3A_379 = arith.index_cast %add3A_181 : i32 to index
        %swap3A_380 = arith.constant 64 : index
        %swap3A_381 = tpu.vector_load %arg12[%swap3A_379, %swap3A_380] {strides = array<i32>} : memref<128x128xf32, #tpu.memory_space<vmem>>, vector<16xf32>,
        tpu.vector_store %arg12[%swap3A_379, %swap3A_380], %add3A_378 {strides = array<i32>} : memref<128x128xf32, #tpu.memory_space<vmem>>, vector<16xf32>,
        %sub3A_382 = arith.subf %add3A_223, %mul3A_287 : vector<16xf32>
        %mul3A_383 = arith.mulf %sub3A_382, %mul3A_347 : vector<16xf32>
        %mul3A_384 = arith.mulf %mul3A_383, %get3A_25 : vector<16xf32>
        %add3A_385 = arith.addf %mul3A_384, %get3A_57 : vector<16xf32>
        %swap3A_386 = arith.index_cast %add3A_181 : i32 to index
        %swap3A_387 = arith.constant 80 : index
        %swap3A_388 = tpu.vector_load %arg12[%swap3A_386, %swap3A_387] {strides = array<i32>} : memref<128x128xf32, #tpu.memory_space<vmem>>, vector<16xf32>,
        tpu.vector_store %arg12[%swap3A_386, %swap3A_387], %add3A_385 {strides = array<i32>} : memref<128x128xf32, #tpu.memory_space<vmem>>, vector<16xf32>,
        %sub3A_389 = arith.subf %add3A_230, %mul3A_287 : vector<16xf32>
        %mul3A_390 = arith.mulf %sub3A_389, %mul3A_347 : vector<16xf32>
        %mul3A_391 = arith.mulf %mul3A_390, %get3A_29 : vector<16xf32>
        %add3A_392 = arith.addf %mul3A_391, %get3A_61 : vector<16xf32>
        %swap3A_393 = arith.index_cast %add3A_181 : i32 to index
        %swap3A_394 = arith.constant 96 : index
        %swap3A_395 = tpu.vector_load %arg12[%swap3A_393, %swap3A_394] {strides = array<i32>} : memref<128x128xf32, #tpu.memory_space<vmem>>, vector<16xf32>,
        tpu.vector_store %arg12[%swap3A_393, %swap3A_394], %add3A_392 {strides = array<i32>} : memref<128x128xf32, #tpu.memory_space<vmem>>, vector<16xf32>,
        %sub3A_396 = arith.subf %add3A_237, %mul3A_287 : vector<16xf32>
        %mul3A_397 = arith.mulf %sub3A_396, %mul3A_347 : vector<16xf32>
        %mul3A_398 = arith.mulf %mul3A_397, %get3A_33 : vector<16xf32>
        %add3A_399 = arith.addf %mul3A_398, %get3A_65 : vector<16xf32>
        %swap3A_400 = arith.index_cast %add3A_181 : i32 to index
        %swap3A_401 = arith.constant 112 : index
        %swap3A_402 = tpu.vector_load %arg12[%swap3A_400, %swap3A_401] {strides = array<i32>} : memref<128x128xf32, #tpu.memory_space<vmem>>, vector<16xf32>,
        tpu.vector_store %arg12[%swap3A_400, %swap3A_401], %add3A_399 {strides = array<i32>} : memref<128x128xf32, #tpu.memory_space<vmem>>, vector<16xf32>,
        %mul3A_403 = arith.constant 2 : i32
        %mul3A_404 = arith.muli %scan3A_177, %mul3A_403 : i32
        %add3A_405 = arith.constant 1 : i32
        %add3A_406 = arith.addi %mul3A_404, %add3A_405 : i32
        %get3A_407 = arith.index_cast %add3A_406 : i32 to index
        %get3A_408 = arith.constant 0 : index
        %get3A_409 = tpu.vector_load %arg8[%get3A_407, %get3A_408] {strides = array<i32>} : memref<128x128xf32, #tpu.memory_space<vmem>>, vector<16xf32>,
        %get3A_410 = arith.index_cast %add3A_406 : i32 to index
        %get3A_411 = arith.constant 0 : index
        %get3A_412 = tpu.vector_load %arg10[%get3A_410, %get3A_411] {strides = array<i32>} : memref<128x128xf32, #tpu.memory_space<vmem>>, vector<16xf32>,
        %add3A_413 = arith.addf %get3A_409, %get3A_412 : vector<16xf32>
        %get3A_414 = arith.index_cast %add3A_406 : i32 to index
        %get3A_415 = arith.constant 16 : index
        %get3A_416 = tpu.vector_load %arg8[%get3A_414, %get3A_415] {strides = array<i32>} : memref<128x128xf32, #tpu.memory_space<vmem>>, vector<16xf32>,
        %get3A_417 = arith.index_cast %add3A_406 : i32 to index
        %get3A_418 = arith.constant 16 : index
        %get3A_419 = tpu.vector_load %arg10[%get3A_417, %get3A_418] {strides = array<i32>} : memref<128x128xf32, #tpu.memory_space<vmem>>, vector<16xf32>,
        %add3A_420 = arith.addf %get3A_416, %get3A_419 : vector<16xf32>
        %get3A_421 = arith.index_cast %add3A_406 : i32 to index
        %get3A_422 = arith.constant 32 : index
        %get3A_423 = tpu.vector_load %arg8[%get3A_421, %get3A_422] {strides = array<i32>} : memref<128x128xf32, #tpu.memory_space<vmem>>, vector<16xf32>,
        %get3A_424 = arith.index_cast %add3A_406 : i32 to index
        %get3A_425 = arith.constant 32 : index
        %get3A_426 = tpu.vector_load %arg10[%get3A_424, %get3A_425] {strides = array<i32>} : memref<128x128xf32, #tpu.memory_space<vmem>>, vector<16xf32>,
        %add3A_427 = arith.addf %get3A_423, %get3A_426 : vector<16xf32>
        %get3A_428 = arith.index_cast %add3A_406 : i32 to index
        %get3A_429 = arith.constant 48 : index
        %get3A_430 = tpu.vector_load %arg8[%get3A_428, %get3A_429] {strides = array<i32>} : memref<128x128xf32, #tpu.memory_space<vmem>>, vector<16xf32>,
        %get3A_431 = arith.index_cast %add3A_406 : i32 to index
        %get3A_432 = arith.constant 48 : index
        %get3A_433 = tpu.vector_load %arg10[%get3A_431, %get3A_432] {strides = array<i32>} : memref<128x128xf32, #tpu.memory_space<vmem>>, vector<16xf32>,
        %add3A_434 = arith.addf %get3A_430, %get3A_433 : vector<16xf32>
        %get3A_435 = arith.index_cast %add3A_406 : i32 to index
        %get3A_436 = arith.constant 64 : index
        %get3A_437 = tpu.vector_load %arg8[%get3A_435, %get3A_436] {strides = array<i32>} : memref<128x128xf32, #tpu.memory_space<vmem>>, vector<16xf32>,
        %get3A_438 = arith.index_cast %add3A_406 : i32 to index
        %get3A_439 = arith.constant 64 : index
        %get3A_440 = tpu.vector_load %arg10[%get3A_438, %get3A_439] {strides = array<i32>} : memref<128x128xf32, #tpu.memory_space<vmem>>, vector<16xf32>,
        %add3A_441 = arith.addf %get3A_437, %get3A_440 : vector<16xf32>
        %get3A_442 = arith.index_cast %add3A_406 : i32 to index
        %get3A_443 = arith.constant 80 : index
        %get3A_444 = tpu.vector_load %arg8[%get3A_442, %get3A_443] {strides = array<i32>} : memref<128x128xf32, #tpu.memory_space<vmem>>, vector<16xf32>,
        %get3A_445 = arith.index_cast %add3A_406 : i32 to index
        %get3A_446 = arith.constant 80 : index
        %get3A_447 = tpu.vector_load %arg10[%get3A_445, %get3A_446] {strides = array<i32>} : memref<128x128xf32, #tpu.memory_space<vmem>>, vector<16xf32>,
        %add3A_448 = arith.addf %get3A_444, %get3A_447 : vector<16xf32>
        %get3A_449 = arith.index_cast %add3A_406 : i32 to index
        %get3A_450 = arith.constant 96 : index
        %get3A_451 = tpu.vector_load %arg8[%get3A_449, %get3A_450] {strides = array<i32>} : memref<128x128xf32, #tpu.memory_space<vmem>>, vector<16xf32>,
        %get3A_452 = arith.index_cast %add3A_406 : i32 to index
        %get3A_453 = arith.constant 96 : index
        %get3A_454 = tpu.vector_load %arg10[%get3A_452, %get3A_453] {strides = array<i32>} : memref<128x128xf32, #tpu.memory_space<vmem>>, vector<16xf32>,
        %add3A_455 = arith.addf %get3A_451, %get3A_454 : vector<16xf32>
        %get3A_456 = arith.index_cast %add3A_406 : i32 to index
        %get3A_457 = arith.constant 112 : index
        %get3A_458 = tpu.vector_load %arg8[%get3A_456, %get3A_457] {strides = array<i32>} : memref<128x128xf32, #tpu.memory_space<vmem>>, vector<16xf32>,
        %get3A_459 = arith.index_cast %add3A_406 : i32 to index
        %get3A_460 = arith.constant 112 : index
        %get3A_461 = tpu.vector_load %arg10[%get3A_459, %get3A_460] {strides = array<i32>} : memref<128x128xf32, #tpu.memory_space<vmem>>, vector<16xf32>,
        %add3A_462 = arith.addf %get3A_458, %get3A_461 : vector<16xf32>
        %mul3A_463 = arith.mulf %add3A_413, %add3A_413 : vector<16xf32>
        %add3A_464 = arith.addf %add3A_413, %add3A_420 : vector<16xf32>
        %mul3A_465 = arith.mulf %add3A_420, %add3A_420 : vector<16xf32>
        %add3A_466 = arith.addf %mul3A_463, %mul3A_465 : vector<16xf32>
        %add3A_467 = arith.addf %add3A_464, %add3A_427 : vector<16xf32>
        %mul3A_468 = arith.mulf %add3A_427, %add3A_427 : vector<16xf32>
        %add3A_469 = arith.addf %add3A_466, %mul3A_468 : vector<16xf32>
        %add3A_470 = arith.addf %add3A_467, %add3A_434 : vector<16xf32>
        %mul3A_471 = arith.mulf %add3A_434, %add3A_434 : vector<16xf32>
        %add3A_472 = arith.addf %add3A_469, %mul3A_471 : vector<16xf32>
        %add3A_473 = arith.addf %add3A_470, %add3A_441 : vector<16xf32>
        %mul3A_474 = arith.mulf %add3A_441, %add3A_441 : vector<16xf32>
        %add3A_475 = arith.addf %add3A_472, %mul3A_474 : vector<16xf32>
        %add3A_476 = arith.addf %add3A_473, %add3A_448 : vector<16xf32>
        %mul3A_477 = arith.mulf %add3A_448, %add3A_448 : vector<16xf32>
        %add3A_478 = arith.addf %add3A_475, %mul3A_477 : vector<16xf32>
        %add3A_479 = arith.addf %add3A_476, %add3A_455 : vector<16xf32>
        %mul3A_480 = arith.mulf %add3A_455, %add3A_455 : vector<16xf32>
        %add3A_481 = arith.addf %add3A_478, %mul3A_480 : vector<16xf32>
        %add3A_482 = arith.addf %add3A_479, %add3A_462 : vector<16xf32>
        %mul3A_483 = arith.mulf %add3A_462, %add3A_462 : vector<16xf32>
        %add3A_484 = arith.addf %add3A_481, %mul3A_483 : vector<16xf32>
        %iota3A_485 = tpu.iota {dimensions = array<i32: 0>} : vector<16xi32>
        %xor3A_486 = arith.constant 1 : i32
        %xor3A_487 = vector.broadcast %xor3A_486 : i32 to vector<16xi32>
        %xor3A_488 = arith.xori %iota3A_485, %xor3A_487 : vector<16xi32>
        %broadcast_in_dim3A_489 = vector.shape_cast %xor3A_488 : vector<16xi32> to vector<16x1xi32>
        %gather3A_490 = vector.shape_cast %broadcast_in_dim3A_489 : vector<16x1xi32> to vector<16xi32>
        %gather3A_491 = tpu.dynamic_gather %add3A_482[%gather3A_490] in [0] : vector<16xf32>, vector<16xi32> -> vector<16xf32>
        %add3A_492 = arith.addf %add3A_482, %gather3A_491 : vector<16xf32>
        %xor3A_493 = arith.constant 2 : i32
        %xor3A_494 = vector.broadcast %xor3A_493 : i32 to vector<16xi32>
        %xor3A_495 = arith.xori %iota3A_485, %xor3A_494 : vector<16xi32>
        %broadcast_in_dim3A_496 = vector.shape_cast %xor3A_495 : vector<16xi32> to vector<16x1xi32>
        %gather3A_497 = vector.shape_cast %broadcast_in_dim3A_496 : vector<16x1xi32> to vector<16xi32>
        %gather3A_498 = tpu.dynamic_gather %add3A_492[%gather3A_497] in [0] : vector<16xf32>, vector<16xi32> -> vector<16xf32>
        %add3A_499 = arith.addf %add3A_492, %gather3A_498 : vector<16xf32>
        %xor3A_500 = arith.constant 4 : i32
        %xor3A_501 = vector.broadcast %xor3A_500 : i32 to vector<16xi32>
        %xor3A_502 = arith.xori %iota3A_485, %xor3A_501 : vector<16xi32>
        %broadcast_in_dim3A_503 = vector.shape_cast %xor3A_502 : vector<16xi32> to vector<16x1xi32>
        %gather3A_504 = vector.shape_cast %broadcast_in_dim3A_503 : vector<16x1xi32> to vector<16xi32>
        %gather3A_505 = tpu.dynamic_gather %add3A_499[%gather3A_504] in [0] : vector<16xf32>, vector<16xi32> -> vector<16xf32>
        %add3A_506 = arith.addf %add3A_499, %gather3A_505 : vector<16xf32>
        %xor3A_507 = arith.constant 8 : i32
        %xor3A_508 = vector.broadcast %xor3A_507 : i32 to vector<16xi32>
        %xor3A_509 = arith.xori %iota3A_485, %xor3A_508 : vector<16xi32>
        %broadcast_in_dim3A_510 = vector.shape_cast %xor3A_509 : vector<16xi32> to vector<16x1xi32>
        %gather3A_511 = vector.shape_cast %broadcast_in_dim3A_510 : vector<16x1xi32> to vector<16xi32>
        %gather3A_512 = tpu.dynamic_gather %add3A_506[%gather3A_511] in [0] : vector<16xf32>, vector<16xi32> -> vector<16xf32>
        %add3A_513 = arith.addf %add3A_506, %gather3A_512 : vector<16xf32>
        %mul3A_514 = arith.constant 7.812500e-03 : f32
        %mul3A_515 = vector.broadcast %mul3A_514 : f32 to vector<16xf32>
        %mul3A_516 = arith.mulf %add3A_513, %mul3A_515 : vector<16xf32>
        %iota3A_517 = tpu.iota {dimensions = array<i32: 0>} : vector<16xi32>
        %xor3A_518 = arith.constant 1 : i32
        %xor3A_519 = vector.broadcast %xor3A_518 : i32 to vector<16xi32>
        %xor3A_520 = arith.xori %iota3A_517, %xor3A_519 : vector<16xi32>
        %broadcast_in_dim3A_521 = vector.shape_cast %xor3A_520 : vector<16xi32> to vector<16x1xi32>
        %gather3A_522 = vector.shape_cast %broadcast_in_dim3A_521 : vector<16x1xi32> to vector<16xi32>
        %gather3A_523 = tpu.dynamic_gather %add3A_484[%gather3A_522] in [0] : vector<16xf32>, vector<16xi32> -> vector<16xf32>
        %add3A_524 = arith.addf %add3A_484, %gather3A_523 : vector<16xf32>
        %xor3A_525 = arith.constant 2 : i32
        %xor3A_526 = vector.broadcast %xor3A_525 : i32 to vector<16xi32>
        %xor3A_527 = arith.xori %iota3A_517, %xor3A_526 : vector<16xi32>
        %broadcast_in_dim3A_528 = vector.shape_cast %xor3A_527 : vector<16xi32> to vector<16x1xi32>
        %gather3A_529 = vector.shape_cast %broadcast_in_dim3A_528 : vector<16x1xi32> to vector<16xi32>
        %gather3A_530 = tpu.dynamic_gather %add3A_524[%gather3A_529] in [0] : vector<16xf32>, vector<16xi32> -> vector<16xf32>
        %add3A_531 = arith.addf %add3A_524, %gather3A_530 : vector<16xf32>
        %xor3A_532 = arith.constant 4 : i32
        %xor3A_533 = vector.broadcast %xor3A_532 : i32 to vector<16xi32>
        %xor3A_534 = arith.xori %iota3A_517, %xor3A_533 : vector<16xi32>
        %broadcast_in_dim3A_535 = vector.shape_cast %xor3A_534 : vector<16xi32> to vector<16x1xi32>
        %gather3A_536 = vector.shape_cast %broadcast_in_dim3A_535 : vector<16x1xi32> to vector<16xi32>
        %gather3A_537 = tpu.dynamic_gather %add3A_531[%gather3A_536] in [0] : vector<16xf32>, vector<16xi32> -> vector<16xf32>
        %add3A_538 = arith.addf %add3A_531, %gather3A_537 : vector<16xf32>
        %xor3A_539 = arith.constant 8 : i32
        %xor3A_540 = vector.broadcast %xor3A_539 : i32 to vector<16xi32>
        %xor3A_541 = arith.xori %iota3A_517, %xor3A_540 : vector<16xi32>
        %broadcast_in_dim3A_542 = vector.shape_cast %xor3A_541 : vector<16xi32> to vector<16x1xi32>
        %gather3A_543 = vector.shape_cast %broadcast_in_dim3A_542 : vector<16x1xi32> to vector<16xi32>
        %gather3A_544 = tpu.dynamic_gather %add3A_538[%gather3A_543] in [0] : vector<16xf32>, vector<16xi32> -> vector<16xf32>
        %add3A_545 = arith.addf %add3A_538, %gather3A_544 : vector<16xf32>
        %mul3A_546 = arith.constant 7.812500e-03 : f32
        %mul3A_547 = vector.broadcast %mul3A_546 : f32 to vector<16xf32>
        %mul3A_548 = arith.mulf %add3A_545, %mul3A_547 : vector<16xf32>
        %mul3A_549 = arith.mulf %mul3A_516, %mul3A_516 : vector<16xf32>
        %sub3A_550 = arith.subf %mul3A_548, %mul3A_549 : vector<16xf32>
        %add3A_551 = arith.constant 9.99999996E-13 : f32
        %add3A_552 = vector.broadcast %add3A_551 : f32 to vector<16xf32>
        %add3A_553 = arith.addf %sub3A_550, %add3A_552 : vector<16xf32>
        %bitcast3A_554 = vector.bitcast %add3A_553 : vector<16xf32> to vector<16xi32>
        %shift_right_arithmetic3A_555 = arith.constant 1 : i32
        %shift_right_arithmetic3A_556 = vector.broadcast %shift_right_arithmetic3A_555 : i32 to vector<16xi32>
        %shift_right_arithmetic3A_557 = arith.shrsi %bitcast3A_554, %shift_right_arithmetic3A_556 : vector<16xi32>
        %sub3A_558 = arith.constant 1597463007 : i32
        %sub3A_559 = vector.broadcast %sub3A_558 : i32 to vector<16xi32>
        %sub3A_560 = arith.subi %sub3A_559, %shift_right_arithmetic3A_557 : vector<16xi32>
        %bitcast3A_561 = vector.bitcast %sub3A_560 : vector<16xi32> to vector<16xf32>
        %mul3A_562 = arith.constant 5.000000e-01 : f32
        %mul3A_563 = vector.broadcast %mul3A_562 : f32 to vector<16xf32>
        %mul3A_564 = arith.mulf %mul3A_563, %add3A_553 : vector<16xf32>
        %mul3A_565 = arith.mulf %mul3A_564, %bitcast3A_561 : vector<16xf32>
        %mul3A_566 = arith.mulf %mul3A_565, %bitcast3A_561 : vector<16xf32>
        %sub3A_567 = arith.constant 1.500000e+00 : f32
        %sub3A_568 = vector.broadcast %sub3A_567 : f32 to vector<16xf32>
        %sub3A_569 = arith.subf %sub3A_568, %mul3A_566 : vector<16xf32>
        %mul3A_570 = arith.mulf %bitcast3A_561, %sub3A_569 : vector<16xf32>
        %mul3A_571 = arith.constant 5.000000e-01 : f32
        %mul3A_572 = vector.broadcast %mul3A_571 : f32 to vector<16xf32>
        %mul3A_573 = arith.mulf %mul3A_572, %add3A_553 : vector<16xf32>
        %mul3A_574 = arith.mulf %mul3A_573, %mul3A_570 : vector<16xf32>
        %mul3A_575 = arith.mulf %mul3A_574, %mul3A_570 : vector<16xf32>
        %sub3A_576 = arith.constant 1.500000e+00 : f32
        %sub3A_577 = vector.broadcast %sub3A_576 : f32 to vector<16xf32>
        %sub3A_578 = arith.subf %sub3A_577, %mul3A_575 : vector<16xf32>
        %mul3A_579 = arith.mulf %mul3A_570, %sub3A_578 : vector<16xf32>
        %sub3A_580 = arith.subf %add3A_413, %mul3A_516 : vector<16xf32>
        %mul3A_581 = arith.mulf %sub3A_580, %mul3A_579 : vector<16xf32>
        %mul3A_582 = arith.mulf %mul3A_581, %get3A_5 : vector<16xf32>
        %add3A_583 = arith.addf %mul3A_582, %get3A_37 : vector<16xf32>
        %swap3A_584 = arith.index_cast %add3A_406 : i32 to index
        %swap3A_585 = arith.constant 0 : index
        %swap3A_586 = tpu.vector_load %arg12[%swap3A_584, %swap3A_585] {strides = array<i32>} : memref<128x128xf32, #tpu.memory_space<vmem>>, vector<16xf32>,
        tpu.vector_store %arg12[%swap3A_584, %swap3A_585], %add3A_583 {strides = array<i32>} : memref<128x128xf32, #tpu.memory_space<vmem>>, vector<16xf32>,
        %sub3A_587 = arith.subf %add3A_420, %mul3A_516 : vector<16xf32>
        %mul3A_588 = arith.mulf %sub3A_587, %mul3A_579 : vector<16xf32>
        %mul3A_589 = arith.mulf %mul3A_588, %get3A_9 : vector<16xf32>
        %add3A_590 = arith.addf %mul3A_589, %get3A_41 : vector<16xf32>
        %swap3A_591 = arith.index_cast %add3A_406 : i32 to index
        %swap3A_592 = arith.constant 16 : index
        %swap3A_593 = tpu.vector_load %arg12[%swap3A_591, %swap3A_592] {strides = array<i32>} : memref<128x128xf32, #tpu.memory_space<vmem>>, vector<16xf32>,
        tpu.vector_store %arg12[%swap3A_591, %swap3A_592], %add3A_590 {strides = array<i32>} : memref<128x128xf32, #tpu.memory_space<vmem>>, vector<16xf32>,
        %sub3A_594 = arith.subf %add3A_427, %mul3A_516 : vector<16xf32>
        %mul3A_595 = arith.mulf %sub3A_594, %mul3A_579 : vector<16xf32>
        %mul3A_596 = arith.mulf %mul3A_595, %get3A_13 : vector<16xf32>
        %add3A_597 = arith.addf %mul3A_596, %get3A_45 : vector<16xf32>
        %swap3A_598 = arith.index_cast %add3A_406 : i32 to index
        %swap3A_599 = arith.constant 32 : index
        %swap3A_600 = tpu.vector_load %arg12[%swap3A_598, %swap3A_599] {strides = array<i32>} : memref<128x128xf32, #tpu.memory_space<vmem>>, vector<16xf32>,
        tpu.vector_store %arg12[%swap3A_598, %swap3A_599], %add3A_597 {strides = array<i32>} : memref<128x128xf32, #tpu.memory_space<vmem>>, vector<16xf32>,
        %sub3A_601 = arith.subf %add3A_434, %mul3A_516 : vector<16xf32>
        %mul3A_602 = arith.mulf %sub3A_601, %mul3A_579 : vector<16xf32>
        %mul3A_603 = arith.mulf %mul3A_602, %get3A_17 : vector<16xf32>
        %add3A_604 = arith.addf %mul3A_603, %get3A_49 : vector<16xf32>
        %swap3A_605 = arith.index_cast %add3A_406 : i32 to index
        %swap3A_606 = arith.constant 48 : index
        %swap3A_607 = tpu.vector_load %arg12[%swap3A_605, %swap3A_606] {strides = array<i32>} : memref<128x128xf32, #tpu.memory_space<vmem>>, vector<16xf32>,
        tpu.vector_store %arg12[%swap3A_605, %swap3A_606], %add3A_604 {strides = array<i32>} : memref<128x128xf32, #tpu.memory_space<vmem>>, vector<16xf32>,
        %sub3A_608 = arith.subf %add3A_441, %mul3A_516 : vector<16xf32>
        %mul3A_609 = arith.mulf %sub3A_608, %mul3A_579 : vector<16xf32>
        %mul3A_610 = arith.mulf %mul3A_609, %get3A_21 : vector<16xf32>
        %add3A_611 = arith.addf %mul3A_610, %get3A_53 : vector<16xf32>
        %swap3A_612 = arith.index_cast %add3A_406 : i32 to index
        %swap3A_613 = arith.constant 64 : index
        %swap3A_614 = tpu.vector_load %arg12[%swap3A_612, %swap3A_613] {strides = array<i32>} : memref<128x128xf32, #tpu.memory_space<vmem>>, vector<16xf32>,
        tpu.vector_store %arg12[%swap3A_612, %swap3A_613], %add3A_611 {strides = array<i32>} : memref<128x128xf32, #tpu.memory_space<vmem>>, vector<16xf32>,
        %sub3A_615 = arith.subf %add3A_448, %mul3A_516 : vector<16xf32>
        %mul3A_616 = arith.mulf %sub3A_615, %mul3A_579 : vector<16xf32>
        %mul3A_617 = arith.mulf %mul3A_616, %get3A_25 : vector<16xf32>
        %add3A_618 = arith.addf %mul3A_617, %get3A_57 : vector<16xf32>
        %swap3A_619 = arith.index_cast %add3A_406 : i32 to index
        %swap3A_620 = arith.constant 80 : index
        %swap3A_621 = tpu.vector_load %arg12[%swap3A_619, %swap3A_620] {strides = array<i32>} : memref<128x128xf32, #tpu.memory_space<vmem>>, vector<16xf32>,
        tpu.vector_store %arg12[%swap3A_619, %swap3A_620], %add3A_618 {strides = array<i32>} : memref<128x128xf32, #tpu.memory_space<vmem>>, vector<16xf32>,
        %sub3A_622 = arith.subf %add3A_455, %mul3A_516 : vector<16xf32>
        %mul3A_623 = arith.mulf %sub3A_622, %mul3A_579 : vector<16xf32>
        %mul3A_624 = arith.mulf %mul3A_623, %get3A_29 : vector<16xf32>
        %add3A_625 = arith.addf %mul3A_624, %get3A_61 : vector<16xf32>
        %swap3A_626 = arith.index_cast %add3A_406 : i32 to index
        %swap3A_627 = arith.constant 96 : index
        %swap3A_628 = tpu.vector_load %arg12[%swap3A_626, %swap3A_627] {strides = array<i32>} : memref<128x128xf32, #tpu.memory_space<vmem>>, vector<16xf32>,
        tpu.vector_store %arg12[%swap3A_626, %swap3A_627], %add3A_625 {strides = array<i32>} : memref<128x128xf32, #tpu.memory_space<vmem>>, vector<16xf32>,
        %sub3A_629 = arith.subf %add3A_462, %mul3A_516 : vector<16xf32>
        %mul3A_630 = arith.mulf %sub3A_629, %mul3A_579 : vector<16xf32>
        %mul3A_631 = arith.mulf %mul3A_630, %get3A_33 : vector<16xf32>
        %add3A_632 = arith.addf %mul3A_631, %get3A_65 : vector<16xf32>
        %swap3A_633 = arith.index_cast %add3A_406 : i32 to index
        %swap3A_634 = arith.constant 112 : index
        %swap3A_635 = tpu.vector_load %arg12[%swap3A_633, %swap3A_634] {strides = array<i32>} : memref<128x128xf32, #tpu.memory_space<vmem>>, vector<16xf32>,
        tpu.vector_store %arg12[%swap3A_633, %swap3A_634], %add3A_632 {strides = array<i32>} : memref<128x128xf32, #tpu.memory_space<vmem>>, vector<16xf32>,
      }
      %scan3A_133 = arith.constant 64 : i32
      %mul3A_134 = arith.constant 128 : i32
      %mul3A_135 = arith.muli %mul3A_95, %mul3A_134 : i32
      %add3A_136 = arith.addi %mul3A_2, %mul3A_135 : i32
      %dma_start3A_137 = arith.constant 0 : i32
      %dma_start3A_138 = tpu.memref_slice %arg6[%add3A_136, %dma_start3A_137] : memref<204800x128xf32, #tpu.memory_space<hbm>> -> memref<128x128xf32, #tpu.memory_space<hbm>>
      %dma_start3A_139 = arith.constant 0 : i32
      %dma_start3A_140 = tpu.memref_slice %arg6[%add3A_136, %dma_start3A_139] : memref<204800x128xf32, #tpu.memory_space<hbm>> -> memref<128x128xf32, #tpu.memory_space<hbm>>
      tpu.enqueue_dma source(%arg12 : memref<128x128xf32, #tpu.memory_space<vmem>>) target(%dma_start3A_140 : memref<128x128xf32, #tpu.memory_space<hbm>>) target_semaphore(%arg19 : memref<!tpu.dma_semaphore, #tpu.memory_space<semaphore_mem>>)
      %lt3A = arith.constant 24 : i32
      %lt3A_141 = arith.cmpi slt, %scan3A_93, %lt3A : i32
      %convert_element_type3A_142 = arith.extui %lt3A_141 : i1 to i32
      %cond3A_143 = arith.constant 0 : i32
      %cond3A_144 = arith.cmpi ne, %convert_element_type3A_142, %cond3A_143 : i32
      scf.if %cond3A_144 {
        %add3A_177 = arith.constant 2 : i32
        %add3A_178 = arith.addi %mul3A_95, %add3A_177 : i32
        %dma_start3A_179 = arith.constant 0 : i32
        %dma_start3A_180 = arith.constant 0 : i32
        %dma_start3A_181 = tpu.memref_slice %arg7[%add3A_178, %dma_start3A_179, %dma_start3A_180] : memref<50x2x128xi32, #tpu.memory_space<vmem>> -> memref<1x1x128xi32, #tpu.memory_space<vmem>>
        %dma_start3A_182 = tpu.memref_squeeze %dma_start3A_181 : memref<1x1x128xi32, #tpu.memory_space<vmem>> -> memref<128xi32, #tpu.memory_space<vmem>>
        %dma_start3A_183 = arith.constant 0 : i32
        %dma_start3A_184 = arith.constant 0 : i32
        %dma_start3A_185 = tpu.memref_slice %arg3[%dma_start3A_183, %dma_start3A_184] : memref<100000x128xf32, #tpu.memory_space<hbm>> -> memref<100000x128xf32, #tpu.memory_space<hbm>>
        tpu.enqueue_indirect_dma source(%dma_start3A_185 : memref<100000x128xf32, #tpu.memory_space<hbm>>) target(%arg8 : memref<128x128xf32, #tpu.memory_space<vmem>>) offsets(%dma_start3A_182 : memref<128xi32, #tpu.memory_space<vmem>>) semaphore(%arg15 : memref<!tpu.dma_semaphore, #tpu.memory_space<semaphore_mem>>)
        %dma_start3A_186 = arith.constant 1 : i32
        %dma_start3A_187 = arith.constant 0 : i32
        %dma_start3A_188 = tpu.memref_slice %arg7[%add3A_178, %dma_start3A_186, %dma_start3A_187] : memref<50x2x128xi32, #tpu.memory_space<vmem>> -> memref<1x1x128xi32, #tpu.memory_space<vmem>>
        %dma_start3A_189 = tpu.memref_squeeze %dma_start3A_188 : memref<1x1x128xi32, #tpu.memory_space<vmem>> -> memref<128xi32, #tpu.memory_space<vmem>>
        %dma_start3A_190 = arith.constant 0 : i32
        %dma_start3A_191 = arith.constant 0 : i32
        %dma_start3A_192 = tpu.memref_slice %arg4[%dma_start3A_190, %dma_start3A_191] : memref<400x128xf32, #tpu.memory_space<hbm>> -> memref<400x128xf32, #tpu.memory_space<hbm>>
        tpu.enqueue_indirect_dma source(%dma_start3A_192 : memref<400x128xf32, #tpu.memory_space<hbm>>) target(%arg10 : memref<128x128xf32, #tpu.memory_space<vmem>>) offsets(%dma_start3A_189 : memref<128xi32, #tpu.memory_space<vmem>>) semaphore(%arg17 : memref<!tpu.dma_semaphore, #tpu.memory_space<semaphore_mem>>)
      } else {
      }
      %dma_wait3A_145 = arith.constant 0 : i32
      %dma_wait3A_146 = arith.constant 0 : i32
      %dma_wait3A_147 = tpu.memref_slice %arg7[%add3A_97, %dma_wait3A_145, %dma_wait3A_146] : memref<50x2x128xi32, #tpu.memory_space<vmem>> -> memref<1x1x128xi32, #tpu.memory_space<vmem>>
      %dma_wait3A_148 = tpu.memref_squeeze %dma_wait3A_147 : memref<1x1x128xi32, #tpu.memory_space<vmem>> -> memref<128xi32, #tpu.memory_space<vmem>>
      %dma_wait3A_149 = arith.constant 0 : i32
      %dma_wait3A_150 = arith.constant 0 : i32
      %dma_wait3A_151 = tpu.memref_slice %arg3[%dma_wait3A_149, %dma_wait3A_150] : memref<100000x128xf32, #tpu.memory_space<hbm>> -> memref<100000x128xf32, #tpu.memory_space<hbm>>
      tpu.wait_indirect_dma semaphore(%arg16 : memref<!tpu.dma_semaphore, #tpu.memory_space<semaphore_mem>>) src(%dma_wait3A_151 : memref<100000x128xf32, #tpu.memory_space<hbm>>) dst(%arg9 : memref<128x128xf32, #tpu.memory_space<vmem>>)
      %dma_wait3A_152 = arith.constant 1 : i32
      %dma_wait3A_153 = arith.constant 0 : i32
      %dma_wait3A_154 = tpu.memref_slice %arg7[%add3A_97, %dma_wait3A_152, %dma_wait3A_153] : memref<50x2x128xi32, #tpu.memory_space<vmem>> -> memref<1x1x128xi32, #tpu.memory_space<vmem>>
      %dma_wait3A_155 = tpu.memref_squeeze %dma_wait3A_154 : memref<1x1x128xi32, #tpu.memory_space<vmem>> -> memref<128xi32, #tpu.memory_space<vmem>>
      %dma_wait3A_156 = arith.constant 0 : i32
      %dma_wait3A_157 = arith.constant 0 : i32
      %dma_wait3A_158 = tpu.memref_slice %arg4[%dma_wait3A_156, %dma_wait3A_157] : memref<400x128xf32, #tpu.memory_space<hbm>> -> memref<400x128xf32, #tpu.memory_space<hbm>>
      tpu.wait_indirect_dma semaphore(%arg18 : memref<!tpu.dma_semaphore, #tpu.memory_space<semaphore_mem>>) src(%dma_wait3A_158 : memref<400x128xf32, #tpu.memory_space<hbm>>) dst(%arg11 : memref<128x128xf32, #tpu.memory_space<vmem>>)
      %gt3A_159 = arith.constant 0 : i32
      %gt3A_160 = arith.cmpi sgt, %scan3A_93, %gt3A_159 : i32
      %convert_element_type3A_161 = arith.extui %gt3A_160 : i1 to i32
      %cond3A_162 = arith.constant 0 : i32
      %cond3A_163 = arith.cmpi ne, %convert_element_type3A_161, %cond3A_162 : i32
      scf.if %cond3A_163 {
        %dma_wait3A_177 = arith.constant 0 : i32
        %dma_wait3A_178 = tpu.memref_slice %arg6[%mul3A_2, %dma_wait3A_177] : memref<204800x128xf32, #tpu.memory_space<hbm>> -> memref<128x128xf32, #tpu.memory_space<hbm>>
        %dma_wait3A_179 = arith.constant 0 : i32
        %dma_wait3A_180 = tpu.memref_slice %arg6[%mul3A_2, %dma_wait3A_179] : memref<204800x128xf32, #tpu.memory_space<hbm>> -> memref<128x128xf32, #tpu.memory_space<hbm>>
        tpu.wait_dma2 semaphore(%arg20 : memref<!tpu.dma_semaphore, #tpu.memory_space<semaphore_mem>>) src(%arg13 : memref<128x128xf32, #tpu.memory_space<vmem>>) dst(%dma_wait3A_180 : memref<128x128xf32, #tpu.memory_space<hbm>>)
      } else {
      }
      %scan3A_164 = arith.constant 0 : i32
      %scan3A_165 = arith.constant 0 : i32
      %scan3A_166 = arith.constant 64 : i32
      %scan3A_167 = arith.addi %scan3A_165, %scan3A_166 : i32
      %scan3A_168 = arith.constant 1 : i32
      scf.for %scan3A_177 = %scan3A_165 to %scan3A_167 step %scan3A_168  : i32 {
        %mul3A_178 = arith.constant 2 : i32
        %mul3A_179 = arith.muli %scan3A_177, %mul3A_178 : i32
        %add3A_180 = arith.constant 0 : i32
        %add3A_181 = arith.addi %mul3A_179, %add3A_180 : i32
        %get3A_182 = arith.index_cast %add3A_181 : i32 to index
        %get3A_183 = arith.constant 0 : index
        %get3A_184 = tpu.vector_load %arg9[%get3A_182, %get3A_183] {strides = array<i32>} : memref<128x128xf32, #tpu.memory_space<vmem>>, vector<16xf32>,
        %get3A_185 = arith.index_cast %add3A_181 : i32 to index
        %get3A_186 = arith.constant 0 : index
        %get3A_187 = tpu.vector_load %arg11[%get3A_185, %get3A_186] {strides = array<i32>} : memref<128x128xf32, #tpu.memory_space<vmem>>, vector<16xf32>,
        %add3A_188 = arith.addf %get3A_184, %get3A_187 : vector<16xf32>
        %get3A_189 = arith.index_cast %add3A_181 : i32 to index
        %get3A_190 = arith.constant 16 : index
        %get3A_191 = tpu.vector_load %arg9[%get3A_189, %get3A_190] {strides = array<i32>} : memref<128x128xf32, #tpu.memory_space<vmem>>, vector<16xf32>,
        %get3A_192 = arith.index_cast %add3A_181 : i32 to index
        %get3A_193 = arith.constant 16 : index
        %get3A_194 = tpu.vector_load %arg11[%get3A_192, %get3A_193] {strides = array<i32>} : memref<128x128xf32, #tpu.memory_space<vmem>>, vector<16xf32>,
        %add3A_195 = arith.addf %get3A_191, %get3A_194 : vector<16xf32>
        %get3A_196 = arith.index_cast %add3A_181 : i32 to index
        %get3A_197 = arith.constant 32 : index
        %get3A_198 = tpu.vector_load %arg9[%get3A_196, %get3A_197] {strides = array<i32>} : memref<128x128xf32, #tpu.memory_space<vmem>>, vector<16xf32>,
        %get3A_199 = arith.index_cast %add3A_181 : i32 to index
        %get3A_200 = arith.constant 32 : index
        %get3A_201 = tpu.vector_load %arg11[%get3A_199, %get3A_200] {strides = array<i32>} : memref<128x128xf32, #tpu.memory_space<vmem>>, vector<16xf32>,
        %add3A_202 = arith.addf %get3A_198, %get3A_201 : vector<16xf32>
        %get3A_203 = arith.index_cast %add3A_181 : i32 to index
        %get3A_204 = arith.constant 48 : index
        %get3A_205 = tpu.vector_load %arg9[%get3A_203, %get3A_204] {strides = array<i32>} : memref<128x128xf32, #tpu.memory_space<vmem>>, vector<16xf32>,
        %get3A_206 = arith.index_cast %add3A_181 : i32 to index
        %get3A_207 = arith.constant 48 : index
        %get3A_208 = tpu.vector_load %arg11[%get3A_206, %get3A_207] {strides = array<i32>} : memref<128x128xf32, #tpu.memory_space<vmem>>, vector<16xf32>,
        %add3A_209 = arith.addf %get3A_205, %get3A_208 : vector<16xf32>
        %get3A_210 = arith.index_cast %add3A_181 : i32 to index
        %get3A_211 = arith.constant 64 : index
        %get3A_212 = tpu.vector_load %arg9[%get3A_210, %get3A_211] {strides = array<i32>} : memref<128x128xf32, #tpu.memory_space<vmem>>, vector<16xf32>,
        %get3A_213 = arith.index_cast %add3A_181 : i32 to index
        %get3A_214 = arith.constant 64 : index
        %get3A_215 = tpu.vector_load %arg11[%get3A_213, %get3A_214] {strides = array<i32>} : memref<128x128xf32, #tpu.memory_space<vmem>>, vector<16xf32>,
        %add3A_216 = arith.addf %get3A_212, %get3A_215 : vector<16xf32>
        %get3A_217 = arith.index_cast %add3A_181 : i32 to index
        %get3A_218 = arith.constant 80 : index
        %get3A_219 = tpu.vector_load %arg9[%get3A_217, %get3A_218] {strides = array<i32>} : memref<128x128xf32, #tpu.memory_space<vmem>>, vector<16xf32>,
        %get3A_220 = arith.index_cast %add3A_181 : i32 to index
        %get3A_221 = arith.constant 80 : index
        %get3A_222 = tpu.vector_load %arg11[%get3A_220, %get3A_221] {strides = array<i32>} : memref<128x128xf32, #tpu.memory_space<vmem>>, vector<16xf32>,
        %add3A_223 = arith.addf %get3A_219, %get3A_222 : vector<16xf32>
        %get3A_224 = arith.index_cast %add3A_181 : i32 to index
        %get3A_225 = arith.constant 96 : index
        %get3A_226 = tpu.vector_load %arg9[%get3A_224, %get3A_225] {strides = array<i32>} : memref<128x128xf32, #tpu.memory_space<vmem>>, vector<16xf32>,
        %get3A_227 = arith.index_cast %add3A_181 : i32 to index
        %get3A_228 = arith.constant 96 : index
        %get3A_229 = tpu.vector_load %arg11[%get3A_227, %get3A_228] {strides = array<i32>} : memref<128x128xf32, #tpu.memory_space<vmem>>, vector<16xf32>,
        %add3A_230 = arith.addf %get3A_226, %get3A_229 : vector<16xf32>
        %get3A_231 = arith.index_cast %add3A_181 : i32 to index
        %get3A_232 = arith.constant 112 : index
        %get3A_233 = tpu.vector_load %arg9[%get3A_231, %get3A_232] {strides = array<i32>} : memref<128x128xf32, #tpu.memory_space<vmem>>, vector<16xf32>,
        %get3A_234 = arith.index_cast %add3A_181 : i32 to index
        %get3A_235 = arith.constant 112 : index
        %get3A_236 = tpu.vector_load %arg11[%get3A_234, %get3A_235] {strides = array<i32>} : memref<128x128xf32, #tpu.memory_space<vmem>>, vector<16xf32>,
        %add3A_237 = arith.addf %get3A_233, %get3A_236 : vector<16xf32>
        %mul3A_238 = arith.mulf %add3A_188, %add3A_188 : vector<16xf32>
        %add3A_239 = arith.addf %add3A_188, %add3A_195 : vector<16xf32>
        %mul3A_240 = arith.mulf %add3A_195, %add3A_195 : vector<16xf32>
        %add3A_241 = arith.addf %mul3A_238, %mul3A_240 : vector<16xf32>
        %add3A_242 = arith.addf %add3A_239, %add3A_202 : vector<16xf32>
        %mul3A_243 = arith.mulf %add3A_202, %add3A_202 : vector<16xf32>
        %add3A_244 = arith.addf %add3A_241, %mul3A_243 : vector<16xf32>
        %add3A_245 = arith.addf %add3A_242, %add3A_209 : vector<16xf32>
        %mul3A_246 = arith.mulf %add3A_209, %add3A_209 : vector<16xf32>
        %add3A_247 = arith.addf %add3A_244, %mul3A_246 : vector<16xf32>
        %add3A_248 = arith.addf %add3A_245, %add3A_216 : vector<16xf32>
        %mul3A_249 = arith.mulf %add3A_216, %add3A_216 : vector<16xf32>
        %add3A_250 = arith.addf %add3A_247, %mul3A_249 : vector<16xf32>
        %add3A_251 = arith.addf %add3A_248, %add3A_223 : vector<16xf32>
        %mul3A_252 = arith.mulf %add3A_223, %add3A_223 : vector<16xf32>
        %add3A_253 = arith.addf %add3A_250, %mul3A_252 : vector<16xf32>
        %add3A_254 = arith.addf %add3A_251, %add3A_230 : vector<16xf32>
        %mul3A_255 = arith.mulf %add3A_230, %add3A_230 : vector<16xf32>
        %add3A_256 = arith.addf %add3A_253, %mul3A_255 : vector<16xf32>
        %add3A_257 = arith.addf %add3A_254, %add3A_237 : vector<16xf32>
        %mul3A_258 = arith.mulf %add3A_237, %add3A_237 : vector<16xf32>
        %add3A_259 = arith.addf %add3A_256, %mul3A_258 : vector<16xf32>
        %iota3A = tpu.iota {dimensions = array<i32: 0>} : vector<16xi32>
        %xor3A = arith.constant 1 : i32
        %xor3A_260 = vector.broadcast %xor3A : i32 to vector<16xi32>
        %xor3A_261 = arith.xori %iota3A, %xor3A_260 : vector<16xi32>
        %broadcast_in_dim3A = vector.shape_cast %xor3A_261 : vector<16xi32> to vector<16x1xi32>
        %gather3A = vector.shape_cast %broadcast_in_dim3A : vector<16x1xi32> to vector<16xi32>
        %gather3A_262 = tpu.dynamic_gather %add3A_257[%gather3A] in [0] : vector<16xf32>, vector<16xi32> -> vector<16xf32>
        %add3A_263 = arith.addf %add3A_257, %gather3A_262 : vector<16xf32>
        %xor3A_264 = arith.constant 2 : i32
        %xor3A_265 = vector.broadcast %xor3A_264 : i32 to vector<16xi32>
        %xor3A_266 = arith.xori %iota3A, %xor3A_265 : vector<16xi32>
        %broadcast_in_dim3A_267 = vector.shape_cast %xor3A_266 : vector<16xi32> to vector<16x1xi32>
        %gather3A_268 = vector.shape_cast %broadcast_in_dim3A_267 : vector<16x1xi32> to vector<16xi32>
        %gather3A_269 = tpu.dynamic_gather %add3A_263[%gather3A_268] in [0] : vector<16xf32>, vector<16xi32> -> vector<16xf32>
        %add3A_270 = arith.addf %add3A_263, %gather3A_269 : vector<16xf32>
        %xor3A_271 = arith.constant 4 : i32
        %xor3A_272 = vector.broadcast %xor3A_271 : i32 to vector<16xi32>
        %xor3A_273 = arith.xori %iota3A, %xor3A_272 : vector<16xi32>
        %broadcast_in_dim3A_274 = vector.shape_cast %xor3A_273 : vector<16xi32> to vector<16x1xi32>
        %gather3A_275 = vector.shape_cast %broadcast_in_dim3A_274 : vector<16x1xi32> to vector<16xi32>
        %gather3A_276 = tpu.dynamic_gather %add3A_270[%gather3A_275] in [0] : vector<16xf32>, vector<16xi32> -> vector<16xf32>
        %add3A_277 = arith.addf %add3A_270, %gather3A_276 : vector<16xf32>
        %xor3A_278 = arith.constant 8 : i32
        %xor3A_279 = vector.broadcast %xor3A_278 : i32 to vector<16xi32>
        %xor3A_280 = arith.xori %iota3A, %xor3A_279 : vector<16xi32>
        %broadcast_in_dim3A_281 = vector.shape_cast %xor3A_280 : vector<16xi32> to vector<16x1xi32>
        %gather3A_282 = vector.shape_cast %broadcast_in_dim3A_281 : vector<16x1xi32> to vector<16xi32>
        %gather3A_283 = tpu.dynamic_gather %add3A_277[%gather3A_282] in [0] : vector<16xf32>, vector<16xi32> -> vector<16xf32>
        %add3A_284 = arith.addf %add3A_277, %gather3A_283 : vector<16xf32>
        %mul3A_285 = arith.constant 7.812500e-03 : f32
        %mul3A_286 = vector.broadcast %mul3A_285 : f32 to vector<16xf32>
        %mul3A_287 = arith.mulf %add3A_284, %mul3A_286 : vector<16xf32>
        %iota3A_288 = tpu.iota {dimensions = array<i32: 0>} : vector<16xi32>
        %xor3A_289 = arith.constant 1 : i32
        %xor3A_290 = vector.broadcast %xor3A_289 : i32 to vector<16xi32>
        %xor3A_291 = arith.xori %iota3A_288, %xor3A_290 : vector<16xi32>
        %broadcast_in_dim3A_292 = vector.shape_cast %xor3A_291 : vector<16xi32> to vector<16x1xi32>
        %gather3A_293 = vector.shape_cast %broadcast_in_dim3A_292 : vector<16x1xi32> to vector<16xi32>
        %gather3A_294 = tpu.dynamic_gather %add3A_259[%gather3A_293] in [0] : vector<16xf32>, vector<16xi32> -> vector<16xf32>
        %add3A_295 = arith.addf %add3A_259, %gather3A_294 : vector<16xf32>
        %xor3A_296 = arith.constant 2 : i32
        %xor3A_297 = vector.broadcast %xor3A_296 : i32 to vector<16xi32>
        %xor3A_298 = arith.xori %iota3A_288, %xor3A_297 : vector<16xi32>
        %broadcast_in_dim3A_299 = vector.shape_cast %xor3A_298 : vector<16xi32> to vector<16x1xi32>
        %gather3A_300 = vector.shape_cast %broadcast_in_dim3A_299 : vector<16x1xi32> to vector<16xi32>
        %gather3A_301 = tpu.dynamic_gather %add3A_295[%gather3A_300] in [0] : vector<16xf32>, vector<16xi32> -> vector<16xf32>
        %add3A_302 = arith.addf %add3A_295, %gather3A_301 : vector<16xf32>
        %xor3A_303 = arith.constant 4 : i32
        %xor3A_304 = vector.broadcast %xor3A_303 : i32 to vector<16xi32>
        %xor3A_305 = arith.xori %iota3A_288, %xor3A_304 : vector<16xi32>
        %broadcast_in_dim3A_306 = vector.shape_cast %xor3A_305 : vector<16xi32> to vector<16x1xi32>
        %gather3A_307 = vector.shape_cast %broadcast_in_dim3A_306 : vector<16x1xi32> to vector<16xi32>
        %gather3A_308 = tpu.dynamic_gather %add3A_302[%gather3A_307] in [0] : vector<16xf32>, vector<16xi32> -> vector<16xf32>
        %add3A_309 = arith.addf %add3A_302, %gather3A_308 : vector<16xf32>
        %xor3A_310 = arith.constant 8 : i32
        %xor3A_311 = vector.broadcast %xor3A_310 : i32 to vector<16xi32>
        %xor3A_312 = arith.xori %iota3A_288, %xor3A_311 : vector<16xi32>
        %broadcast_in_dim3A_313 = vector.shape_cast %xor3A_312 : vector<16xi32> to vector<16x1xi32>
        %gather3A_314 = vector.shape_cast %broadcast_in_dim3A_313 : vector<16x1xi32> to vector<16xi32>
        %gather3A_315 = tpu.dynamic_gather %add3A_309[%gather3A_314] in [0] : vector<16xf32>, vector<16xi32> -> vector<16xf32>
        %add3A_316 = arith.addf %add3A_309, %gather3A_315 : vector<16xf32>
        %mul3A_317 = arith.constant 7.812500e-03 : f32
        %mul3A_318 = vector.broadcast %mul3A_317 : f32 to vector<16xf32>
        %mul3A_319 = arith.mulf %add3A_316, %mul3A_318 : vector<16xf32>
        %mul3A_320 = arith.mulf %mul3A_287, %mul3A_287 : vector<16xf32>
        %sub3A = arith.subf %mul3A_319, %mul3A_320 : vector<16xf32>
        %add3A_321 = arith.constant 9.99999996E-13 : f32
        %add3A_322 = vector.broadcast %add3A_321 : f32 to vector<16xf32>
        %add3A_323 = arith.addf %sub3A, %add3A_322 : vector<16xf32>
        %bitcast3A = vector.bitcast %add3A_323 : vector<16xf32> to vector<16xi32>
        %shift_right_arithmetic3A = arith.constant 1 : i32
        %shift_right_arithmetic3A_324 = vector.broadcast %shift_right_arithmetic3A : i32 to vector<16xi32>
        %shift_right_arithmetic3A_325 = arith.shrsi %bitcast3A, %shift_right_arithmetic3A_324 : vector<16xi32>
        %sub3A_326 = arith.constant 1597463007 : i32
        %sub3A_327 = vector.broadcast %sub3A_326 : i32 to vector<16xi32>
        %sub3A_328 = arith.subi %sub3A_327, %shift_right_arithmetic3A_325 : vector<16xi32>
        %bitcast3A_329 = vector.bitcast %sub3A_328 : vector<16xi32> to vector<16xf32>
        %mul3A_330 = arith.constant 5.000000e-01 : f32
        %mul3A_331 = vector.broadcast %mul3A_330 : f32 to vector<16xf32>
        %mul3A_332 = arith.mulf %mul3A_331, %add3A_323 : vector<16xf32>
        %mul3A_333 = arith.mulf %mul3A_332, %bitcast3A_329 : vector<16xf32>
        %mul3A_334 = arith.mulf %mul3A_333, %bitcast3A_329 : vector<16xf32>
        %sub3A_335 = arith.constant 1.500000e+00 : f32
        %sub3A_336 = vector.broadcast %sub3A_335 : f32 to vector<16xf32>
        %sub3A_337 = arith.subf %sub3A_336, %mul3A_334 : vector<16xf32>
        %mul3A_338 = arith.mulf %bitcast3A_329, %sub3A_337 : vector<16xf32>
        %mul3A_339 = arith.constant 5.000000e-01 : f32
        %mul3A_340 = vector.broadcast %mul3A_339 : f32 to vector<16xf32>
        %mul3A_341 = arith.mulf %mul3A_340, %add3A_323 : vector<16xf32>
        %mul3A_342 = arith.mulf %mul3A_341, %mul3A_338 : vector<16xf32>
        %mul3A_343 = arith.mulf %mul3A_342, %mul3A_338 : vector<16xf32>
        %sub3A_344 = arith.constant 1.500000e+00 : f32
        %sub3A_345 = vector.broadcast %sub3A_344 : f32 to vector<16xf32>
        %sub3A_346 = arith.subf %sub3A_345, %mul3A_343 : vector<16xf32>
        %mul3A_347 = arith.mulf %mul3A_338, %sub3A_346 : vector<16xf32>
        %sub3A_348 = arith.subf %add3A_188, %mul3A_287 : vector<16xf32>
        %mul3A_349 = arith.mulf %sub3A_348, %mul3A_347 : vector<16xf32>
        %mul3A_350 = arith.mulf %mul3A_349, %get3A_5 : vector<16xf32>
        %add3A_351 = arith.addf %mul3A_350, %get3A_37 : vector<16xf32>
        %swap3A = arith.index_cast %add3A_181 : i32 to index
        %swap3A_352 = arith.constant 0 : index
        %swap3A_353 = tpu.vector_load %arg13[%swap3A, %swap3A_352] {strides = array<i32>} : memref<128x128xf32, #tpu.memory_space<vmem>>, vector<16xf32>,
        tpu.vector_store %arg13[%swap3A, %swap3A_352], %add3A_351 {strides = array<i32>} : memref<128x128xf32, #tpu.memory_space<vmem>>, vector<16xf32>,
        %sub3A_354 = arith.subf %add3A_195, %mul3A_287 : vector<16xf32>
        %mul3A_355 = arith.mulf %sub3A_354, %mul3A_347 : vector<16xf32>
        %mul3A_356 = arith.mulf %mul3A_355, %get3A_9 : vector<16xf32>
        %add3A_357 = arith.addf %mul3A_356, %get3A_41 : vector<16xf32>
        %swap3A_358 = arith.index_cast %add3A_181 : i32 to index
        %swap3A_359 = arith.constant 16 : index
        %swap3A_360 = tpu.vector_load %arg13[%swap3A_358, %swap3A_359] {strides = array<i32>} : memref<128x128xf32, #tpu.memory_space<vmem>>, vector<16xf32>,
        tpu.vector_store %arg13[%swap3A_358, %swap3A_359], %add3A_357 {strides = array<i32>} : memref<128x128xf32, #tpu.memory_space<vmem>>, vector<16xf32>,
        %sub3A_361 = arith.subf %add3A_202, %mul3A_287 : vector<16xf32>
        %mul3A_362 = arith.mulf %sub3A_361, %mul3A_347 : vector<16xf32>
        %mul3A_363 = arith.mulf %mul3A_362, %get3A_13 : vector<16xf32>
        %add3A_364 = arith.addf %mul3A_363, %get3A_45 : vector<16xf32>
        %swap3A_365 = arith.index_cast %add3A_181 : i32 to index
        %swap3A_366 = arith.constant 32 : index
        %swap3A_367 = tpu.vector_load %arg13[%swap3A_365, %swap3A_366] {strides = array<i32>} : memref<128x128xf32, #tpu.memory_space<vmem>>, vector<16xf32>,
        tpu.vector_store %arg13[%swap3A_365, %swap3A_366], %add3A_364 {strides = array<i32>} : memref<128x128xf32, #tpu.memory_space<vmem>>, vector<16xf32>,
        %sub3A_368 = arith.subf %add3A_209, %mul3A_287 : vector<16xf32>
        %mul3A_369 = arith.mulf %sub3A_368, %mul3A_347 : vector<16xf32>
        %mul3A_370 = arith.mulf %mul3A_369, %get3A_17 : vector<16xf32>
        %add3A_371 = arith.addf %mul3A_370, %get3A_49 : vector<16xf32>
        %swap3A_372 = arith.index_cast %add3A_181 : i32 to index
        %swap3A_373 = arith.constant 48 : index
        %swap3A_374 = tpu.vector_load %arg13[%swap3A_372, %swap3A_373] {strides = array<i32>} : memref<128x128xf32, #tpu.memory_space<vmem>>, vector<16xf32>,
        tpu.vector_store %arg13[%swap3A_372, %swap3A_373], %add3A_371 {strides = array<i32>} : memref<128x128xf32, #tpu.memory_space<vmem>>, vector<16xf32>,
        %sub3A_375 = arith.subf %add3A_216, %mul3A_287 : vector<16xf32>
        %mul3A_376 = arith.mulf %sub3A_375, %mul3A_347 : vector<16xf32>
        %mul3A_377 = arith.mulf %mul3A_376, %get3A_21 : vector<16xf32>
        %add3A_378 = arith.addf %mul3A_377, %get3A_53 : vector<16xf32>
        %swap3A_379 = arith.index_cast %add3A_181 : i32 to index
        %swap3A_380 = arith.constant 64 : index
        %swap3A_381 = tpu.vector_load %arg13[%swap3A_379, %swap3A_380] {strides = array<i32>} : memref<128x128xf32, #tpu.memory_space<vmem>>, vector<16xf32>,
        tpu.vector_store %arg13[%swap3A_379, %swap3A_380], %add3A_378 {strides = array<i32>} : memref<128x128xf32, #tpu.memory_space<vmem>>, vector<16xf32>,
        %sub3A_382 = arith.subf %add3A_223, %mul3A_287 : vector<16xf32>
        %mul3A_383 = arith.mulf %sub3A_382, %mul3A_347 : vector<16xf32>
        %mul3A_384 = arith.mulf %mul3A_383, %get3A_25 : vector<16xf32>
        %add3A_385 = arith.addf %mul3A_384, %get3A_57 : vector<16xf32>
        %swap3A_386 = arith.index_cast %add3A_181 : i32 to index
        %swap3A_387 = arith.constant 80 : index
        %swap3A_388 = tpu.vector_load %arg13[%swap3A_386, %swap3A_387] {strides = array<i32>} : memref<128x128xf32, #tpu.memory_space<vmem>>, vector<16xf32>,
        tpu.vector_store %arg13[%swap3A_386, %swap3A_387], %add3A_385 {strides = array<i32>} : memref<128x128xf32, #tpu.memory_space<vmem>>, vector<16xf32>,
        %sub3A_389 = arith.subf %add3A_230, %mul3A_287 : vector<16xf32>
        %mul3A_390 = arith.mulf %sub3A_389, %mul3A_347 : vector<16xf32>
        %mul3A_391 = arith.mulf %mul3A_390, %get3A_29 : vector<16xf32>
        %add3A_392 = arith.addf %mul3A_391, %get3A_61 : vector<16xf32>
        %swap3A_393 = arith.index_cast %add3A_181 : i32 to index
        %swap3A_394 = arith.constant 96 : index
        %swap3A_395 = tpu.vector_load %arg13[%swap3A_393, %swap3A_394] {strides = array<i32>} : memref<128x128xf32, #tpu.memory_space<vmem>>, vector<16xf32>,
        tpu.vector_store %arg13[%swap3A_393, %swap3A_394], %add3A_392 {strides = array<i32>} : memref<128x128xf32, #tpu.memory_space<vmem>>, vector<16xf32>,
        %sub3A_396 = arith.subf %add3A_237, %mul3A_287 : vector<16xf32>
        %mul3A_397 = arith.mulf %sub3A_396, %mul3A_347 : vector<16xf32>
        %mul3A_398 = arith.mulf %mul3A_397, %get3A_33 : vector<16xf32>
        %add3A_399 = arith.addf %mul3A_398, %get3A_65 : vector<16xf32>
        %swap3A_400 = arith.index_cast %add3A_181 : i32 to index
        %swap3A_401 = arith.constant 112 : index
        %swap3A_402 = tpu.vector_load %arg13[%swap3A_400, %swap3A_401] {strides = array<i32>} : memref<128x128xf32, #tpu.memory_space<vmem>>, vector<16xf32>,
        tpu.vector_store %arg13[%swap3A_400, %swap3A_401], %add3A_399 {strides = array<i32>} : memref<128x128xf32, #tpu.memory_space<vmem>>, vector<16xf32>,
        %mul3A_403 = arith.constant 2 : i32
        %mul3A_404 = arith.muli %scan3A_177, %mul3A_403 : i32
        %add3A_405 = arith.constant 1 : i32
        %add3A_406 = arith.addi %mul3A_404, %add3A_405 : i32
        %get3A_407 = arith.index_cast %add3A_406 : i32 to index
        %get3A_408 = arith.constant 0 : index
        %get3A_409 = tpu.vector_load %arg9[%get3A_407, %get3A_408] {strides = array<i32>} : memref<128x128xf32, #tpu.memory_space<vmem>>, vector<16xf32>,
        %get3A_410 = arith.index_cast %add3A_406 : i32 to index
        %get3A_411 = arith.constant 0 : index
        %get3A_412 = tpu.vector_load %arg11[%get3A_410, %get3A_411] {strides = array<i32>} : memref<128x128xf32, #tpu.memory_space<vmem>>, vector<16xf32>,
        %add3A_413 = arith.addf %get3A_409, %get3A_412 : vector<16xf32>
        %get3A_414 = arith.index_cast %add3A_406 : i32 to index
        %get3A_415 = arith.constant 16 : index
        %get3A_416 = tpu.vector_load %arg9[%get3A_414, %get3A_415] {strides = array<i32>} : memref<128x128xf32, #tpu.memory_space<vmem>>, vector<16xf32>,
        %get3A_417 = arith.index_cast %add3A_406 : i32 to index
        %get3A_418 = arith.constant 16 : index
        %get3A_419 = tpu.vector_load %arg11[%get3A_417, %get3A_418] {strides = array<i32>} : memref<128x128xf32, #tpu.memory_space<vmem>>, vector<16xf32>,
        %add3A_420 = arith.addf %get3A_416, %get3A_419 : vector<16xf32>
        %get3A_421 = arith.index_cast %add3A_406 : i32 to index
        %get3A_422 = arith.constant 32 : index
        %get3A_423 = tpu.vector_load %arg9[%get3A_421, %get3A_422] {strides = array<i32>} : memref<128x128xf32, #tpu.memory_space<vmem>>, vector<16xf32>,
        %get3A_424 = arith.index_cast %add3A_406 : i32 to index
        %get3A_425 = arith.constant 32 : index
        %get3A_426 = tpu.vector_load %arg11[%get3A_424, %get3A_425] {strides = array<i32>} : memref<128x128xf32, #tpu.memory_space<vmem>>, vector<16xf32>,
        %add3A_427 = arith.addf %get3A_423, %get3A_426 : vector<16xf32>
        %get3A_428 = arith.index_cast %add3A_406 : i32 to index
        %get3A_429 = arith.constant 48 : index
        %get3A_430 = tpu.vector_load %arg9[%get3A_428, %get3A_429] {strides = array<i32>} : memref<128x128xf32, #tpu.memory_space<vmem>>, vector<16xf32>,
        %get3A_431 = arith.index_cast %add3A_406 : i32 to index
        %get3A_432 = arith.constant 48 : index
        %get3A_433 = tpu.vector_load %arg11[%get3A_431, %get3A_432] {strides = array<i32>} : memref<128x128xf32, #tpu.memory_space<vmem>>, vector<16xf32>,
        %add3A_434 = arith.addf %get3A_430, %get3A_433 : vector<16xf32>
        %get3A_435 = arith.index_cast %add3A_406 : i32 to index
        %get3A_436 = arith.constant 64 : index
        %get3A_437 = tpu.vector_load %arg9[%get3A_435, %get3A_436] {strides = array<i32>} : memref<128x128xf32, #tpu.memory_space<vmem>>, vector<16xf32>,
        %get3A_438 = arith.index_cast %add3A_406 : i32 to index
        %get3A_439 = arith.constant 64 : index
        %get3A_440 = tpu.vector_load %arg11[%get3A_438, %get3A_439] {strides = array<i32>} : memref<128x128xf32, #tpu.memory_space<vmem>>, vector<16xf32>,
        %add3A_441 = arith.addf %get3A_437, %get3A_440 : vector<16xf32>
        %get3A_442 = arith.index_cast %add3A_406 : i32 to index
        %get3A_443 = arith.constant 80 : index
        %get3A_444 = tpu.vector_load %arg9[%get3A_442, %get3A_443] {strides = array<i32>} : memref<128x128xf32, #tpu.memory_space<vmem>>, vector<16xf32>,
        %get3A_445 = arith.index_cast %add3A_406 : i32 to index
        %get3A_446 = arith.constant 80 : index
        %get3A_447 = tpu.vector_load %arg11[%get3A_445, %get3A_446] {strides = array<i32>} : memref<128x128xf32, #tpu.memory_space<vmem>>, vector<16xf32>,
        %add3A_448 = arith.addf %get3A_444, %get3A_447 : vector<16xf32>
        %get3A_449 = arith.index_cast %add3A_406 : i32 to index
        %get3A_450 = arith.constant 96 : index
        %get3A_451 = tpu.vector_load %arg9[%get3A_449, %get3A_450] {strides = array<i32>} : memref<128x128xf32, #tpu.memory_space<vmem>>, vector<16xf32>,
        %get3A_452 = arith.index_cast %add3A_406 : i32 to index
        %get3A_453 = arith.constant 96 : index
        %get3A_454 = tpu.vector_load %arg11[%get3A_452, %get3A_453] {strides = array<i32>} : memref<128x128xf32, #tpu.memory_space<vmem>>, vector<16xf32>,
        %add3A_455 = arith.addf %get3A_451, %get3A_454 : vector<16xf32>
        %get3A_456 = arith.index_cast %add3A_406 : i32 to index
        %get3A_457 = arith.constant 112 : index
        %get3A_458 = tpu.vector_load %arg9[%get3A_456, %get3A_457] {strides = array<i32>} : memref<128x128xf32, #tpu.memory_space<vmem>>, vector<16xf32>,
        %get3A_459 = arith.index_cast %add3A_406 : i32 to index
        %get3A_460 = arith.constant 112 : index
        %get3A_461 = tpu.vector_load %arg11[%get3A_459, %get3A_460] {strides = array<i32>} : memref<128x128xf32, #tpu.memory_space<vmem>>, vector<16xf32>,
        %add3A_462 = arith.addf %get3A_458, %get3A_461 : vector<16xf32>
        %mul3A_463 = arith.mulf %add3A_413, %add3A_413 : vector<16xf32>
        %add3A_464 = arith.addf %add3A_413, %add3A_420 : vector<16xf32>
        %mul3A_465 = arith.mulf %add3A_420, %add3A_420 : vector<16xf32>
        %add3A_466 = arith.addf %mul3A_463, %mul3A_465 : vector<16xf32>
        %add3A_467 = arith.addf %add3A_464, %add3A_427 : vector<16xf32>
        %mul3A_468 = arith.mulf %add3A_427, %add3A_427 : vector<16xf32>
        %add3A_469 = arith.addf %add3A_466, %mul3A_468 : vector<16xf32>
        %add3A_470 = arith.addf %add3A_467, %add3A_434 : vector<16xf32>
        %mul3A_471 = arith.mulf %add3A_434, %add3A_434 : vector<16xf32>
        %add3A_472 = arith.addf %add3A_469, %mul3A_471 : vector<16xf32>
        %add3A_473 = arith.addf %add3A_470, %add3A_441 : vector<16xf32>
        %mul3A_474 = arith.mulf %add3A_441, %add3A_441 : vector<16xf32>
        %add3A_475 = arith.addf %add3A_472, %mul3A_474 : vector<16xf32>
        %add3A_476 = arith.addf %add3A_473, %add3A_448 : vector<16xf32>
        %mul3A_477 = arith.mulf %add3A_448, %add3A_448 : vector<16xf32>
        %add3A_478 = arith.addf %add3A_475, %mul3A_477 : vector<16xf32>
        %add3A_479 = arith.addf %add3A_476, %add3A_455 : vector<16xf32>
        %mul3A_480 = arith.mulf %add3A_455, %add3A_455 : vector<16xf32>
        %add3A_481 = arith.addf %add3A_478, %mul3A_480 : vector<16xf32>
        %add3A_482 = arith.addf %add3A_479, %add3A_462 : vector<16xf32>
        %mul3A_483 = arith.mulf %add3A_462, %add3A_462 : vector<16xf32>
        %add3A_484 = arith.addf %add3A_481, %mul3A_483 : vector<16xf32>
        %iota3A_485 = tpu.iota {dimensions = array<i32: 0>} : vector<16xi32>
        %xor3A_486 = arith.constant 1 : i32
        %xor3A_487 = vector.broadcast %xor3A_486 : i32 to vector<16xi32>
        %xor3A_488 = arith.xori %iota3A_485, %xor3A_487 : vector<16xi32>
        %broadcast_in_dim3A_489 = vector.shape_cast %xor3A_488 : vector<16xi32> to vector<16x1xi32>
        %gather3A_490 = vector.shape_cast %broadcast_in_dim3A_489 : vector<16x1xi32> to vector<16xi32>
        %gather3A_491 = tpu.dynamic_gather %add3A_482[%gather3A_490] in [0] : vector<16xf32>, vector<16xi32> -> vector<16xf32>
        %add3A_492 = arith.addf %add3A_482, %gather3A_491 : vector<16xf32>
        %xor3A_493 = arith.constant 2 : i32
        %xor3A_494 = vector.broadcast %xor3A_493 : i32 to vector<16xi32>
        %xor3A_495 = arith.xori %iota3A_485, %xor3A_494 : vector<16xi32>
        %broadcast_in_dim3A_496 = vector.shape_cast %xor3A_495 : vector<16xi32> to vector<16x1xi32>
        %gather3A_497 = vector.shape_cast %broadcast_in_dim3A_496 : vector<16x1xi32> to vector<16xi32>
        %gather3A_498 = tpu.dynamic_gather %add3A_492[%gather3A_497] in [0] : vector<16xf32>, vector<16xi32> -> vector<16xf32>
        %add3A_499 = arith.addf %add3A_492, %gather3A_498 : vector<16xf32>
        %xor3A_500 = arith.constant 4 : i32
        %xor3A_501 = vector.broadcast %xor3A_500 : i32 to vector<16xi32>
        %xor3A_502 = arith.xori %iota3A_485, %xor3A_501 : vector<16xi32>
        %broadcast_in_dim3A_503 = vector.shape_cast %xor3A_502 : vector<16xi32> to vector<16x1xi32>
        %gather3A_504 = vector.shape_cast %broadcast_in_dim3A_503 : vector<16x1xi32> to vector<16xi32>
        %gather3A_505 = tpu.dynamic_gather %add3A_499[%gather3A_504] in [0] : vector<16xf32>, vector<16xi32> -> vector<16xf32>
        %add3A_506 = arith.addf %add3A_499, %gather3A_505 : vector<16xf32>
        %xor3A_507 = arith.constant 8 : i32
        %xor3A_508 = vector.broadcast %xor3A_507 : i32 to vector<16xi32>
        %xor3A_509 = arith.xori %iota3A_485, %xor3A_508 : vector<16xi32>
        %broadcast_in_dim3A_510 = vector.shape_cast %xor3A_509 : vector<16xi32> to vector<16x1xi32>
        %gather3A_511 = vector.shape_cast %broadcast_in_dim3A_510 : vector<16x1xi32> to vector<16xi32>
        %gather3A_512 = tpu.dynamic_gather %add3A_506[%gather3A_511] in [0] : vector<16xf32>, vector<16xi32> -> vector<16xf32>
        %add3A_513 = arith.addf %add3A_506, %gather3A_512 : vector<16xf32>
        %mul3A_514 = arith.constant 7.812500e-03 : f32
        %mul3A_515 = vector.broadcast %mul3A_514 : f32 to vector<16xf32>
        %mul3A_516 = arith.mulf %add3A_513, %mul3A_515 : vector<16xf32>
        %iota3A_517 = tpu.iota {dimensions = array<i32: 0>} : vector<16xi32>
        %xor3A_518 = arith.constant 1 : i32
        %xor3A_519 = vector.broadcast %xor3A_518 : i32 to vector<16xi32>
        %xor3A_520 = arith.xori %iota3A_517, %xor3A_519 : vector<16xi32>
        %broadcast_in_dim3A_521 = vector.shape_cast %xor3A_520 : vector<16xi32> to vector<16x1xi32>
        %gather3A_522 = vector.shape_cast %broadcast_in_dim3A_521 : vector<16x1xi32> to vector<16xi32>
        %gather3A_523 = tpu.dynamic_gather %add3A_484[%gather3A_522] in [0] : vector<16xf32>, vector<16xi32> -> vector<16xf32>
        %add3A_524 = arith.addf %add3A_484, %gather3A_523 : vector<16xf32>
        %xor3A_525 = arith.constant 2 : i32
        %xor3A_526 = vector.broadcast %xor3A_525 : i32 to vector<16xi32>
        %xor3A_527 = arith.xori %iota3A_517, %xor3A_526 : vector<16xi32>
        %broadcast_in_dim3A_528 = vector.shape_cast %xor3A_527 : vector<16xi32> to vector<16x1xi32>
        %gather3A_529 = vector.shape_cast %broadcast_in_dim3A_528 : vector<16x1xi32> to vector<16xi32>
        %gather3A_530 = tpu.dynamic_gather %add3A_524[%gather3A_529] in [0] : vector<16xf32>, vector<16xi32> -> vector<16xf32>
        %add3A_531 = arith.addf %add3A_524, %gather3A_530 : vector<16xf32>
        %xor3A_532 = arith.constant 4 : i32
        %xor3A_533 = vector.broadcast %xor3A_532 : i32 to vector<16xi32>
        %xor3A_534 = arith.xori %iota3A_517, %xor3A_533 : vector<16xi32>
        %broadcast_in_dim3A_535 = vector.shape_cast %xor3A_534 : vector<16xi32> to vector<16x1xi32>
        %gather3A_536 = vector.shape_cast %broadcast_in_dim3A_535 : vector<16x1xi32> to vector<16xi32>
        %gather3A_537 = tpu.dynamic_gather %add3A_531[%gather3A_536] in [0] : vector<16xf32>, vector<16xi32> -> vector<16xf32>
        %add3A_538 = arith.addf %add3A_531, %gather3A_537 : vector<16xf32>
        %xor3A_539 = arith.constant 8 : i32
        %xor3A_540 = vector.broadcast %xor3A_539 : i32 to vector<16xi32>
        %xor3A_541 = arith.xori %iota3A_517, %xor3A_540 : vector<16xi32>
        %broadcast_in_dim3A_542 = vector.shape_cast %xor3A_541 : vector<16xi32> to vector<16x1xi32>
        %gather3A_543 = vector.shape_cast %broadcast_in_dim3A_542 : vector<16x1xi32> to vector<16xi32>
        %gather3A_544 = tpu.dynamic_gather %add3A_538[%gather3A_543] in [0] : vector<16xf32>, vector<16xi32> -> vector<16xf32>
        %add3A_545 = arith.addf %add3A_538, %gather3A_544 : vector<16xf32>
        %mul3A_546 = arith.constant 7.812500e-03 : f32
        %mul3A_547 = vector.broadcast %mul3A_546 : f32 to vector<16xf32>
        %mul3A_548 = arith.mulf %add3A_545, %mul3A_547 : vector<16xf32>
        %mul3A_549 = arith.mulf %mul3A_516, %mul3A_516 : vector<16xf32>
        %sub3A_550 = arith.subf %mul3A_548, %mul3A_549 : vector<16xf32>
        %add3A_551 = arith.constant 9.99999996E-13 : f32
        %add3A_552 = vector.broadcast %add3A_551 : f32 to vector<16xf32>
        %add3A_553 = arith.addf %sub3A_550, %add3A_552 : vector<16xf32>
        %bitcast3A_554 = vector.bitcast %add3A_553 : vector<16xf32> to vector<16xi32>
        %shift_right_arithmetic3A_555 = arith.constant 1 : i32
        %shift_right_arithmetic3A_556 = vector.broadcast %shift_right_arithmetic3A_555 : i32 to vector<16xi32>
        %shift_right_arithmetic3A_557 = arith.shrsi %bitcast3A_554, %shift_right_arithmetic3A_556 : vector<16xi32>
        %sub3A_558 = arith.constant 1597463007 : i32
        %sub3A_559 = vector.broadcast %sub3A_558 : i32 to vector<16xi32>
        %sub3A_560 = arith.subi %sub3A_559, %shift_right_arithmetic3A_557 : vector<16xi32>
        %bitcast3A_561 = vector.bitcast %sub3A_560 : vector<16xi32> to vector<16xf32>
        %mul3A_562 = arith.constant 5.000000e-01 : f32
        %mul3A_563 = vector.broadcast %mul3A_562 : f32 to vector<16xf32>
        %mul3A_564 = arith.mulf %mul3A_563, %add3A_553 : vector<16xf32>
        %mul3A_565 = arith.mulf %mul3A_564, %bitcast3A_561 : vector<16xf32>
        %mul3A_566 = arith.mulf %mul3A_565, %bitcast3A_561 : vector<16xf32>
        %sub3A_567 = arith.constant 1.500000e+00 : f32
        %sub3A_568 = vector.broadcast %sub3A_567 : f32 to vector<16xf32>
        %sub3A_569 = arith.subf %sub3A_568, %mul3A_566 : vector<16xf32>
        %mul3A_570 = arith.mulf %bitcast3A_561, %sub3A_569 : vector<16xf32>
        %mul3A_571 = arith.constant 5.000000e-01 : f32
        %mul3A_572 = vector.broadcast %mul3A_571 : f32 to vector<16xf32>
        %mul3A_573 = arith.mulf %mul3A_572, %add3A_553 : vector<16xf32>
        %mul3A_574 = arith.mulf %mul3A_573, %mul3A_570 : vector<16xf32>
        %mul3A_575 = arith.mulf %mul3A_574, %mul3A_570 : vector<16xf32>
        %sub3A_576 = arith.constant 1.500000e+00 : f32
        %sub3A_577 = vector.broadcast %sub3A_576 : f32 to vector<16xf32>
        %sub3A_578 = arith.subf %sub3A_577, %mul3A_575 : vector<16xf32>
        %mul3A_579 = arith.mulf %mul3A_570, %sub3A_578 : vector<16xf32>
        %sub3A_580 = arith.subf %add3A_413, %mul3A_516 : vector<16xf32>
        %mul3A_581 = arith.mulf %sub3A_580, %mul3A_579 : vector<16xf32>
        %mul3A_582 = arith.mulf %mul3A_581, %get3A_5 : vector<16xf32>
        %add3A_583 = arith.addf %mul3A_582, %get3A_37 : vector<16xf32>
        %swap3A_584 = arith.index_cast %add3A_406 : i32 to index
        %swap3A_585 = arith.constant 0 : index
        %swap3A_586 = tpu.vector_load %arg13[%swap3A_584, %swap3A_585] {strides = array<i32>} : memref<128x128xf32, #tpu.memory_space<vmem>>, vector<16xf32>,
        tpu.vector_store %arg13[%swap3A_584, %swap3A_585], %add3A_583 {strides = array<i32>} : memref<128x128xf32, #tpu.memory_space<vmem>>, vector<16xf32>,
        %sub3A_587 = arith.subf %add3A_420, %mul3A_516 : vector<16xf32>
        %mul3A_588 = arith.mulf %sub3A_587, %mul3A_579 : vector<16xf32>
        %mul3A_589 = arith.mulf %mul3A_588, %get3A_9 : vector<16xf32>
        %add3A_590 = arith.addf %mul3A_589, %get3A_41 : vector<16xf32>
        %swap3A_591 = arith.index_cast %add3A_406 : i32 to index
        %swap3A_592 = arith.constant 16 : index
        %swap3A_593 = tpu.vector_load %arg13[%swap3A_591, %swap3A_592] {strides = array<i32>} : memref<128x128xf32, #tpu.memory_space<vmem>>, vector<16xf32>,
        tpu.vector_store %arg13[%swap3A_591, %swap3A_592], %add3A_590 {strides = array<i32>} : memref<128x128xf32, #tpu.memory_space<vmem>>, vector<16xf32>,
        %sub3A_594 = arith.subf %add3A_427, %mul3A_516 : vector<16xf32>
        %mul3A_595 = arith.mulf %sub3A_594, %mul3A_579 : vector<16xf32>
        %mul3A_596 = arith.mulf %mul3A_595, %get3A_13 : vector<16xf32>
        %add3A_597 = arith.addf %mul3A_596, %get3A_45 : vector<16xf32>
        %swap3A_598 = arith.index_cast %add3A_406 : i32 to index
        %swap3A_599 = arith.constant 32 : index
        %swap3A_600 = tpu.vector_load %arg13[%swap3A_598, %swap3A_599] {strides = array<i32>} : memref<128x128xf32, #tpu.memory_space<vmem>>, vector<16xf32>,
        tpu.vector_store %arg13[%swap3A_598, %swap3A_599], %add3A_597 {strides = array<i32>} : memref<128x128xf32, #tpu.memory_space<vmem>>, vector<16xf32>,
        %sub3A_601 = arith.subf %add3A_434, %mul3A_516 : vector<16xf32>
        %mul3A_602 = arith.mulf %sub3A_601, %mul3A_579 : vector<16xf32>
        %mul3A_603 = arith.mulf %mul3A_602, %get3A_17 : vector<16xf32>
        %add3A_604 = arith.addf %mul3A_603, %get3A_49 : vector<16xf32>
        %swap3A_605 = arith.index_cast %add3A_406 : i32 to index
        %swap3A_606 = arith.constant 48 : index
        %swap3A_607 = tpu.vector_load %arg13[%swap3A_605, %swap3A_606] {strides = array<i32>} : memref<128x128xf32, #tpu.memory_space<vmem>>, vector<16xf32>,
        tpu.vector_store %arg13[%swap3A_605, %swap3A_606], %add3A_604 {strides = array<i32>} : memref<128x128xf32, #tpu.memory_space<vmem>>, vector<16xf32>,
        %sub3A_608 = arith.subf %add3A_441, %mul3A_516 : vector<16xf32>
        %mul3A_609 = arith.mulf %sub3A_608, %mul3A_579 : vector<16xf32>
        %mul3A_610 = arith.mulf %mul3A_609, %get3A_21 : vector<16xf32>
        %add3A_611 = arith.addf %mul3A_610, %get3A_53 : vector<16xf32>
        %swap3A_612 = arith.index_cast %add3A_406 : i32 to index
        %swap3A_613 = arith.constant 64 : index
        %swap3A_614 = tpu.vector_load %arg13[%swap3A_612, %swap3A_613] {strides = array<i32>} : memref<128x128xf32, #tpu.memory_space<vmem>>, vector<16xf32>,
        tpu.vector_store %arg13[%swap3A_612, %swap3A_613], %add3A_611 {strides = array<i32>} : memref<128x128xf32, #tpu.memory_space<vmem>>, vector<16xf32>,
        %sub3A_615 = arith.subf %add3A_448, %mul3A_516 : vector<16xf32>
        %mul3A_616 = arith.mulf %sub3A_615, %mul3A_579 : vector<16xf32>
        %mul3A_617 = arith.mulf %mul3A_616, %get3A_25 : vector<16xf32>
        %add3A_618 = arith.addf %mul3A_617, %get3A_57 : vector<16xf32>
        %swap3A_619 = arith.index_cast %add3A_406 : i32 to index
        %swap3A_620 = arith.constant 80 : index
        %swap3A_621 = tpu.vector_load %arg13[%swap3A_619, %swap3A_620] {strides = array<i32>} : memref<128x128xf32, #tpu.memory_space<vmem>>, vector<16xf32>,
        tpu.vector_store %arg13[%swap3A_619, %swap3A_620], %add3A_618 {strides = array<i32>} : memref<128x128xf32, #tpu.memory_space<vmem>>, vector<16xf32>,
        %sub3A_622 = arith.subf %add3A_455, %mul3A_516 : vector<16xf32>
        %mul3A_623 = arith.mulf %sub3A_622, %mul3A_579 : vector<16xf32>
        %mul3A_624 = arith.mulf %mul3A_623, %get3A_29 : vector<16xf32>
        %add3A_625 = arith.addf %mul3A_624, %get3A_61 : vector<16xf32>
        %swap3A_626 = arith.index_cast %add3A_406 : i32 to index
        %swap3A_627 = arith.constant 96 : index
        %swap3A_628 = tpu.vector_load %arg13[%swap3A_626, %swap3A_627] {strides = array<i32>} : memref<128x128xf32, #tpu.memory_space<vmem>>, vector<16xf32>,
        tpu.vector_store %arg13[%swap3A_626, %swap3A_627], %add3A_625 {strides = array<i32>} : memref<128x128xf32, #tpu.memory_space<vmem>>, vector<16xf32>,
        %sub3A_629 = arith.subf %add3A_462, %mul3A_516 : vector<16xf32>
        %mul3A_630 = arith.mulf %sub3A_629, %mul3A_579 : vector<16xf32>
        %mul3A_631 = arith.mulf %mul3A_630, %get3A_33 : vector<16xf32>
        %add3A_632 = arith.addf %mul3A_631, %get3A_65 : vector<16xf32>
        %swap3A_633 = arith.index_cast %add3A_406 : i32 to index
        %swap3A_634 = arith.constant 112 : index
        %swap3A_635 = tpu.vector_load %arg13[%swap3A_633, %swap3A_634] {strides = array<i32>} : memref<128x128xf32, #tpu.memory_space<vmem>>, vector<16xf32>,
        tpu.vector_store %arg13[%swap3A_633, %swap3A_634], %add3A_632 {strides = array<i32>} : memref<128x128xf32, #tpu.memory_space<vmem>>, vector<16xf32>,
      }
      %scan3A_169 = arith.constant 64 : i32
      %mul3A_170 = arith.constant 128 : i32
      %mul3A_171 = arith.muli %add3A_97, %mul3A_170 : i32
      %add3A_172 = arith.addi %mul3A_2, %mul3A_171 : i32
      %dma_start3A_173 = arith.constant 0 : i32
      %dma_start3A_174 = tpu.memref_slice %arg6[%add3A_172, %dma_start3A_173] : memref<204800x128xf32, #tpu.memory_space<hbm>> -> memref<128x128xf32, #tpu.memory_space<hbm>>
      %dma_start3A_175 = arith.constant 0 : i32
      %dma_start3A_176 = tpu.memref_slice %arg6[%add3A_172, %dma_start3A_175] : memref<204800x128xf32, #tpu.memory_space<hbm>> -> memref<128x128xf32, #tpu.memory_space<hbm>>
      tpu.enqueue_dma source(%arg13 : memref<128x128xf32, #tpu.memory_space<vmem>>) target(%dma_start3A_176 : memref<128x128xf32, #tpu.memory_space<hbm>>) target_semaphore(%arg20 : memref<!tpu.dma_semaphore, #tpu.memory_space<semaphore_mem>>)
    }
    %scan3A_85 = arith.constant 25 : i32
    %dma_wait3A = arith.constant 0 : i32
    %dma_wait3A_86 = tpu.memref_slice %arg6[%mul3A_2, %dma_wait3A] : memref<204800x128xf32, #tpu.memory_space<hbm>> -> memref<128x128xf32, #tpu.memory_space<hbm>>
    %dma_wait3A_87 = arith.constant 0 : i32
    %dma_wait3A_88 = tpu.memref_slice %arg6[%mul3A_2, %dma_wait3A_87] : memref<204800x128xf32, #tpu.memory_space<hbm>> -> memref<128x128xf32, #tpu.memory_space<hbm>>
    tpu.wait_dma2 semaphore(%arg19 : memref<!tpu.dma_semaphore, #tpu.memory_space<semaphore_mem>>) src(%arg12 : memref<128x128xf32, #tpu.memory_space<vmem>>) dst(%dma_wait3A_88 : memref<128x128xf32, #tpu.memory_space<hbm>>)
    %dma_wait3A_89 = arith.constant 0 : i32
    %dma_wait3A_90 = tpu.memref_slice %arg6[%mul3A_2, %dma_wait3A_89] : memref<204800x128xf32, #tpu.memory_space<hbm>> -> memref<128x128xf32, #tpu.memory_space<hbm>>
    %dma_wait3A_91 = arith.constant 0 : i32
    %dma_wait3A_92 = tpu.memref_slice %arg6[%mul3A_2, %dma_wait3A_91] : memref<204800x128xf32, #tpu.memory_space<hbm>> -> memref<128x128xf32, #tpu.memory_space<hbm>>
    tpu.wait_dma2 semaphore(%arg20 : memref<!tpu.dma_semaphore, #tpu.memory_space<semaphore_mem>>) src(%arg13 : memref<128x128xf32, #tpu.memory_space<vmem>>) dst(%dma_wait3A_92 : memref<128x128xf32, #tpu.memory_space<hbm>>)
    return
  }
}

</mosaic_0001>

<sc_bundles>
// kernel: kernel.3.cloned.1.call-start
scs
__scs_entry_jumppad:
0x0: {  	(pc) =	sbr.rel $0x88, $3  }
0x1: {  	(tag) =	ssettag $0x0;
	lr =	simm.s32 $0x1  }
0x2: {  	[smem:$0x3F9A] =	sst lr;
	_ =	strace $0xD0000000  }
0x3: {  	_ = 	snop  }
0x4: {  	_ = 	snop  }
0x5: {  	_ = 	snop  }
0x6: {  	_ = 	snop  }
0x7: {  	_ = 	snop  }
__scs_overlays_trampoline_lowered:
0x8: {  	[smem:$0x3FA9] =	sst s0  }
0x9: {  	[smem:$0x3FAA] =	sst s1  }
0xa: {  	[smem:$0x3FAB] =	sst s2  }
0xb: {  	[smem:$0x3FAC] =	sst s3  }
0xc: {  	[smem:$0x3FAD] =	sst s4  }
0xd: {  	[smem:$0x3FAE] =	sst s5  }
0xe: {  	[smem:$0x3FAF] =	sst s6  }
0xf: {  	[smem:$0x3FB0] =	sst s7  }
0x10: {  	[smem:$0x3FB1] =	sst s8  }
0x11: {  	[smem:$0x3FB2] =	sst s9;
	s0 =	simm.s32 @!p0 $0x0  }
0x12: {  	s1 =	sld [smem:$0x3F98];
	s0 =	simm.s32 @p0 $0x1  }
0x13: {  	[smem:$0x3FB3] =	sst s0;
	s0 =	simm.s32 @!p1 $0x0  }
0x14: {  	s2 =	sld [smem:$0x3F97];
	s0 =	simm.s32 @p1 $0x1  }
0x15: {  	[smem:$0x3FB4] =	sst s0;
	s0 =	simm.s32 @!p2 $0x0  }
0x16: {  	s3 =	sld [smem:$0x3FDB];
	s0 =	simm.s32 @p2 $0x1  }
0x17: {  	s4 =	simm.s32 $0x1BF5;
	[smem:$0x3FB6] =	sst s0  }
0x18: {  	s0 =	sld [smem:$0x3F99];
	_ =	swait.ge [sflag:s4], $0x0  }
0x19: {  	s7 =	sld [smem:$0x3F9A]  }
0x1a: {  	s8 =	sadd.s32 $0xFFFFE003, lr  }
0x1b: {  	s9 =	sadd.s32 $0xFFFFFEF7, lr;
	s5 =	simm.s32 $0xFFFFFFFF;
	p2 =	slt.u32 s8, $0xFFFFF086  }
0x1c: {  	p1 =	slt.u32 s9, $0xF7A;
	s5 =	simm.s32 @!p2 $0x0  }
0x1d: {  	s5 =	simm.s32 @p1 $0x1;
	p0 =	seq.s32 s7, s2  }
0x1e: {  	s7 =	smul.u32 @!p0 $0xF7A, s2;
	p2 =	seq.s32 @!p0 s5, $0x0  }
0x1f: {  	s9 =	smul.u32 $0xF7A, s1;
	s8 =	simm.s32 @!p0 $0x1BF5;
	p2 =	por !p2, p0  }
0x20: {  	[sflag:s8] =	ssyncset.s32 @!p0 $0xFFFFF086;
	s6 =	sadd.s32 @!p0 s3, s7;
	s7 =	simm.s32 @!p0 $0x108  }
0x21: {  	s3 =	sadd.s32 s3, s9;
	s6 =	sadd.s32 @!p0 $0x88, s6;
	s7 =	simm.s32 @p2 $0x1082  }
0x22: {  	[simem:s7], [sflag:s8] =	dma.local @!p0 [hbm:s6], $0xF7A  }
0x23: {  	s9 =	sor.u32 $0xD0000000, s2;
	s6 =	simm.s32 $0x108;
	_ =	swait.ge @!p0 [sflag:s8], $0x0  }
0x24: {  	s3 =	sadd.s32 $0x88, s3;
	s6 =	simm.s32 @!p1 $0x1082;
	[sflag:s4] =	ssyncset.s32 $0xFFFFF086  }
0x25: {  	[simem:s6], [sflag:s4] =	dma.local [hbm:s3], $0xF7A  }
0x26: {  	[smem:$0x3F9A] =	sst s1;
	(tag) =	ssettag s2;
	_ =	strace s9  }
0x27: {  	s1 =	sld [smem:$0x3FAA]  }
0x28: {  	s2 =	sld [smem:$0x3FAB]  }
0x29: {  	s4 =	sld [smem:$0x3FAD]  }
0x2a: {  	p0 =	seq.s32 s5, $0x0;
	s5 =	sld [smem:$0x3FAE]  }
0x2b: {  	s6 =	sld [smem:$0x3FAF]  }
0x2c: {  	s7 =	sld [smem:$0x3FB0]  }
0x2d: {  	s3 =	simm.s32 $0x108;
	s8 =	sld [smem:$0x3FB1]  }
0x2e: {  	s3 =	simm.s32 @!p0 $0x1082;
	s9 =	sld [smem:$0x3FB2]  }
0x2f: {  	lr =	sadd.s32 s0, s3;
	s0 =	sld [smem:$0x3FA9]  }
0x30: {  	s3 =	sld [smem:$0x3FAC]  }
0x31: {  	[smem:$0x3FB5] =	sst s10  }
0x32: {  	s10 =	sld [smem:$0x3FB3];
	_ =	sdelay $0x3  }
0x33: {  	p0 =	seq.s32 s10, $0x1;
	s10 =	sld [smem:$0x3FB5];
	_ =	sdelay $0x3  }
0x34: {  	[smem:$0x3FB5] =	sst s10  }
0x35: {  	s10 =	sld [smem:$0x3FB4];
	_ =	sdelay $0x3  }
0x36: {  	p1 =	seq.s32 s10, $0x1;
	s10 =	sld [smem:$0x3FB5];
	_ =	sdelay $0x3  }
0x37: {  	[smem:$0x3FB5] =	sst s10  }
0x38: {  	s10 =	sld [smem:$0x3FB6]  }
0x39: {  	_ = 	snop;
	(pc) =	sbr.ind lr, $3  }
0x3a: {  	_ = 	snop  }
0x3b: {  	_ = 	snop  }
0x3c: {  	p2 =	seq.s32 s10, $0x1;
	s10 =	sld [smem:$0x3FB5]  }
0x3d: {  	_ =	shalt  }
0x3e: {  	_ =	shalt  }
0x3f: {  	_ =	shalt  }
0x40: {  	_ =	shalt  }
0x41: {  	_ =	shalt  }
0x42: {  	_ =	shalt  }
0x43: {  	_ =	shalt  }
0x44: {  	_ =	shalt  }
0x45: {  	_ =	shalt  }
0x46: {  	_ =	shalt  }
0x47: {  	_ =	shalt  }
0x48: {  	_ =	shalt  }
0x49: {  	_ =	shalt  }
0x4a: {  	_ =	shalt  }
0x4b: {  	_ =	shalt  }
0x4c: {  	_ =	shalt  }
0x4d: {  	_ =	shalt  }
0x4e: {  	_ =	shalt  }
0x4f: {  	_ =	shalt  }
0x50: {  	_ =	shalt  }
0x51: {  	_ =	shalt  }
0x52: {  	_ =	shalt  }
0x53: {  	_ =	shalt  }
0x54: {  	_ =	shalt  }
0x55: {  	_ =	shalt  }
0x56: {  	_ =	shalt  }
0x57: {  	_ =	shalt  }
0x58: {  	_ =	shalt  }
0x59: {  	_ =	shalt  }
0x5a: {  	_ =	shalt  }
0x5b: {  	_ =	shalt  }
0x5c: {  	_ =	shalt  }
0x5d: {  	_ =	shalt  }
0x5e: {  	_ =	shalt  }
0x5f: {  	_ =	shalt  }
0x60: {  	_ =	shalt  }
0x61: {  	_ =	shalt  }
0x62: {  	_ =	shalt  }
0x63: {  	_ =	shalt  }
0x64: {  	_ =	shalt  }
0x65: {  	_ =	shalt  }
0x66: {  	_ =	shalt  }
0x67: {  	_ =	shalt  }
0x68: {  	_ =	shalt  }
0x69: {  	_ =	shalt  }
0x6a: {  	_ =	shalt  }
0x6b: {  	_ =	shalt  }
0x6c: {  	_ =	shalt  }
0x6d: {  	_ =	shalt  }
0x6e: {  	_ =	shalt  }
0x6f: {  	_ =	shalt  }
0x70: {  	_ =	shalt  }
0x71: {  	_ =	shalt  }
0x72: {  	_ =	shalt  }
0x73: {  	_ =	shalt  }
0x74: {  	_ =	shalt  }
0x75: {  	_ =	shalt  }
0x76: {  	_ =	shalt  }
0x77: {  	_ =	shalt  }
0x78: {  	_ =	shalt  }
0x79: {  	_ =	shalt  }
0x7a: {  	_ =	shalt  }
0x7b: {  	_ =	shalt  }
0x7c: {  	_ =	shalt  }
0x7d: {  	_ =	shalt  }
0x7e: {  	_ =	shalt  }
0x7f: {  	_ =	shalt  }
0x80: {  	_ =	shalt  }
0x81: {  	_ =	shalt  }
0x82: {  	_ =	shalt  }
0x83: {  	_ =	shalt  }
0x84: {  	_ =	shalt  }
0x85: {  	_ =	shalt  }
0x86: {  	_ =	shalt  }
0x87: {  	_ =	shalt  }
.Lfunc_end0:
.L_simem_size_0:
called_computation_lowered:
.L_overlay_start_0:
0x88: {  	s2 =	sld [smem:$0x3FD9]  }
0x89: {  	s3 =	sld [smem:$0x3FFE];
	_ =	sdelay $0x1  }
0x8a: {  	s1 =	srdreg.scid  }
0x8b: {  	s0 =	sand.u32 $0x1, s1  }
0x8c: {  	s17 =	sshll.u32 s0, $0xA;
	s2 =	sadd.s32 s3, s2  }
0x8d: {  	s2 =	sadd.s32 s2, s17  }
0x8e: {  	[smem:$0x3FC1] =	sst s2  }
0x8f: {  	_ = 	snop  }
0x90: {  	s2 =	sld [smem:$0x3FC7]  }
0x91: {  	s18 =	sld [smem:$0x3FD0];
	(tm) =	ssettm $0x1  }
0x92: {  	s4 =	sld [smem:$0x3FFB];
	_ =	sdelay $0x3  }
0x93: {  	_ =	strace s4  }
0x94: {  	s4 =	sld [smem:$0x3FFC];
	_ =	sdelay $0x3  }
0x95: {  	_ =	strace s4  }
0x96: {  	s4 =	sld [smem:$0x3FFD];
	_ =	sdelay $0x3  }
0x97: {  	_ =	strace s4  }
0x98: {  	_ =	strace $0x8FFFFFFF  }
0x99: {  	s19 =	sld [smem:$0x3FDB];
	_ =	sdelay $0x1  }
0x9a: {  	s5 =	simm.s32 $_scs_section_size  }
0x9b: {  	s6 =	simm.s32 $_size__tile_overlayer_lowered;
	s7 =	simm.s32 $_tile_overlayer_lowered  }
0x9c: {  	s22 =	simm.s32 $0x1BFF;
	s21 =	sshll.u32 s7, $0x1;
	s4 =	sadd.s32 s5, s19  }
0x9d: {  	s8 =	simm.s32 $0x0;
	s20 =	sshll.u32 s6, $0x1;
	s6 =	sadd.s32 s21, s4  }
0x9e: {  	[timem:s8], [sflag:s22] =	dma.local [hbm:s6], s20  }
0x9f: {  	_ =	swait.ge [sflag:s22], s20  }
0xa0: {  	s5 =	ssub.s32 $0x0, s20;
	[sflag:s22] =	ssyncset.done $0x0  }
0xa1: {  	[sflag:s22] =	ssyncadd.s32 s5;
	_ =	sdelay $0x1  }
0xa2: {  	s23 =	simm.s32 $0x1B8B  }
0xa3: {  	_ =	swait.ge [sflag:s23], $0x1  }
0xa4: {  	[sflag:s23] =	ssyncset.done $0x0  }
0xa5: {  	s25 =	simm.s32 $0x1B8E;
	s24 =	sld [smem:$0x3FFE];
	[sflag:s23] =	ssyncadd.s32 $0xFFFFFFFF  }
0xa6: {  	s26 =	simm.s32 $execute0_lowered;
	[smem:$0x3FD2] =	sst s25  }
0xa7: {  	s6 =	sshll.u32 s26, $0x1;
	_ =	strace $0x80000046;
	[dreg:$0x1] =	wrdreg $0xFFFFFFFF  }
0xa8: {  	s28 =	simm.s32 $_size_execute0_lowered;
	s4 =	sadd.s32 s4, s6;
	[dreg:$0x0] =	wrdreg $0x0  }
0xa9: {  	s6 =	sshll.u32 s28, $0x1;
	[dreg:$0x2] =	wrdreg s4  }
0xaa: {  	[dreg:$0x3] =	wrdreg s6  }
0xab: {  	[dreg:$0x4] =	wrdreg $0xC0  }
0xac: {  	_ =	task [dreg:s8], $0x5FFFF  }
0xad: {  	[dreg:$0x1] =	wrdreg $0xFFFFFFFF  }
0xae: {  	[dreg:$0x0] =	wrdreg $0x60  }
0xaf: {  	[dreg:$0x2] =	wrdreg s24  }
0xb0: {  	[dreg:$0x3] =	wrdreg s2  }
0xb1: {  	[dreg:$0x4] =	wrdreg s18  }
0xb2: {  	[dreg:$0x5] =	wrdreg $0x9  }
0xb3: {  	_ =	task.clear_ibuf [dreg:s8], $0x6FFFF;
	_ =	strace $0x90000046  }
0xb4: {  	s29 =	simm.s32 $0x9;
	_ =	strace $0x80000048  }
0xb5: {  	_ =	swait.ge [sflag:s29], $0x1  }
0xb6: {  	[sflag:s29] =	ssyncadd.s32 $0xFFFFFFFF  }
0xb7: {  	_ =	strace $0x90000048  }
0xb8: {  	_ =	sfence  }
0xb9: {  	s30 =	sld [smem:$0x0];
	_ =	sdelay $0x2  }
0xba: {  	s31 =	sshll.u32 s1, $0xD;
	s1 =	sshrl.u32 s1, $0x2  }
0xbb: {  	s3 =	sand.u32 $0x4000, s31;
	s1 =	sadd.s32 s1, s30  }
0xbc: {  	s0 =	sor.u32 s3, s0;
	s1 =	sshll.u32 s1, $0x11  }
0xbd: {  	s0 =	sor.u32 s1, s0  }
0xbe: {  	s0 =	sadd.s32 $0x8F2B, s0  }
0xbf: {  	[sflag:s0] =	ssyncadd.remote.s32 $0x1  }
0xc0: {  	_ =	sfence.sel $0xFFFF  }
0xc1: {  	[dreg:$0x0] =	wrdreg $0xFFFFFFFF;
	(pc) =	sbr.abs _section_cstart, $3  }
0xc2: {  	[dreg:$0x1] =	wrdreg $0xFFFFFFFF  }
0xc3: {  	_ =	task.clear_ibuf [dreg:s8], $0x2FFFF;
	_ =	strace $0x9FFFFFFF  }
0xc4: {  	(tm) =	ssettm $0x7FFFFFFF  }
0xc5: {  	_ =	shalt  }
tec
execute0_lowered:
.L_overlay_start_1:
0x0: {  	(tag) =	ssettag $0x1  }
0x1: {  	s2 =	rddreg [dreg:$0x0];
	v0 =	vimm.s32 $0xEFCDAB89;
	v1 =	vimm.s32 $0x67452301;
	v2 =	vimm.s32 $0xDCFE98BA  }
0x2: {  	s1 =	rddreg [dreg:$0x1];
	v3 =	vimm.s32 $0x54761032;
	v4 =	vimm.s32 $0xBA98FEDC;
	v5 =	vimm.s32 $0x32107654  }
0x3: {  	s4 =	srdreg.scid;
	s0 =	stileid.u32;
	v6 =	vimm.s32 $0xFEDCBA98;
	v7 =	vimm.s32 $0x76543210;
	v0 =	vunpack.c.l.s4.s8 v0  }
0x4: {  	s3 =	rddreg [dreg:$0x2];
	s11 =	simm.s32 $0x7;
	s12 =	simm.s32 $0x80;
	v1 =	vunpack.c.l.s4.s8 v1;
	v2 =	vunpack.c.l.s4.s8 v2;
	v3 =	vunpack.c.l.s4.s8 v3  }
0x5: {  	s13 =	simm.s32 $0x3200;
	s14 =	simm.s32 $0xB200;
	s15 =	simm.s32 $0x7200;
	v4 =	vunpack.c.l.s4.s8 v4;
	v5 =	vunpack.c.l.s4.s8 v5;
	v6 =	vunpack.c.l.s4.s8 v6  }
0x6: {  	s16 =	simm.s32 $0xF200;
	s17 =	simm.s32 $0x1;
	s18 =	simm.s32 $0x3;
	v0 =	vunpack.c.0.s8.s32 v0;
	v1 =	vunpack.c.0.s8.s32 v1;
	v2 =	vunpack.c.0.s8.s32 v2  }
0x7: {  	s19 =	simm.s32 $0x13200;
	s20 =	simm.s32 $0x2;
	s21 =	simm.s32 $0x4;
	v3 =	vunpack.c.0.s8.s32 v3;
	v4 =	vunpack.c.0.s8.s32 v4;
	v5 =	vunpack.c.0.s8.s32 v5  }
0x8: {  	s22 =	simm.s32 $0x17200;
	s23 =	simm.s32 $0x5;
	s24 =	simm.s32 $0x6;
	v7 =	vunpack.c.l.s4.s8 v7;
	v0 =	vcombine.low v1, v0  }
0x9: {  	s5 =	sand.u32 $0x1, s4;
	s6 =	sshll.u32 s0, $0x1;
	s4 =	simm.s32 $0x0;
	v1 =	vunpack.c.0.s8.s32 v6;
	v2 =	vcombine.low v3, v2;
	v3 =	vcombine.low v5, v4  }
0xa: {  	s25 =	simm.s32 $0x0;
	s8 =	sor.u32 s5, s6;
	[smem:$0x7FF] =	sst s4;
	v4 =	vunpack.c.0.s8.s32 v7;
	v59 =	vand.u32 $0xF, v0  }
0xb: {  	s7 =	ssub.s32 $0x2, s5;
	s6 =	smul.u32 $0x640, s8;
	_ =	strace $0x80000047;
	v5 =	vand.u32 $0xF, v1;
	v1 =	vand.u32 $0xF, v3;
	[tilespmem:$0x1FFC0] =	vst v59  }
0xc: {  	s5 =	sadd.s32 $0x1200, s2;
	s10 =	sshrl.u32 s7, $0x1;
	s8 =	smul.u32 $0xC8000, s8;
	v6 =	vand.u32 $0xF, v2;
	v61 =	vcombine.low v5, v4;
	[tilespmem:$0x1FFD0] =	vst v1  }
0xd: {  	s31 =	ssub.s32 s7, s10;
	s10 =	simm.s32 $0x1B200;
	s9 =	sadd.s32 s6, s2;
	[tilespmem:$0x1FFF0] =	vst v6  }
0xe: {  	s6 =	sadd.s32 $0x1000, s2;
	s7 =	sadd.s32 $0x2C00, s9;
	s9 =	smax.u32 s31, $0x1;
	[tilespmem:$0x1FFE0] =	vst v61  }
.LBB2_1:
0xf: {  	[tilespmem:s10], [sflag:$0x7] =	stream.linear.gather [hbm4b:s6+s4], $0x100, $0x38;
	[tilespmem:$0x1B300] =	vst v63  }
0x10: {  	_ =	swait.ge [sflag:s11], $0x100  }
0x11: {  	[sflag:s11] =	ssyncset.done $0x0  }
0x12: {  	[sflag:s11] =	ssyncadd.s32 $0xFFFFFF00  }
0x13: {  	[tilespmem:s4], [sflag:$0x7] =	stream.linear.gather [hbm4b:s7+s4], $0x3200, $0x38;
	[tilespmem:$0x1B300] =	vst v63  }
0x14: {  	_ =	swait.ge [sflag:s11], $0x3200  }
0x15: {  	[sflag:s11] =	ssyncset.done $0x0  }
0x16: {  	[sflag:s11] =	ssyncadd.s32 $0xFFFFCE00  }
0x17: {  	v4 =	vld [tilespmem:$0x1B200];
	_ =	sdelay $0x4  }
0x18: {  	[tilespmem:$0x1FEC0] =	vst v4;
	v4 =	vld [tilespmem:$0x1B210];
	_ =	sdelay $0x4  }
0x19: {  	[tilespmem:$0x1FED0] =	vst v4;
	v4 =	vld [tilespmem:$0x1B220];
	_ =	sdelay $0x4  }
0x1a: {  	[tilespmem:$0x1FEE0] =	vst v4;
	v4 =	vld [tilespmem:$0x1B240];
	_ =	sdelay $0x4  }
0x1b: {  	[tilespmem:$0x1FEF0] =	vst v4;
	v4 =	vld [tilespmem:$0x1B250];
	_ =	sdelay $0x4  }
0x1c: {  	[tilespmem:$0x1FF00] =	vst v4;
	v4 =	vld [tilespmem:$0x1B260];
	_ =	sdelay $0x4  }
0x1d: {  	[tilespmem:$0x1FF10] =	vst v4;
	v4 =	vld [tilespmem:$0x1B270];
	_ =	sdelay $0x4  }
0x1e: {  	[tilespmem:$0x1FF20] =	vst v4;
	v4 =	vld [tilespmem:$0x1B280];
	_ =	sdelay $0x4  }
0x1f: {  	[tilespmem:$0x1FF30] =	vst v4;
	v4 =	vld [tilespmem:$0x1B290]  }
0x20: {  	v3 =	vld [tilespmem:$0x1B2E0];
	_ =	sdelay $0x1  }
0x21: {  	v0 =	vld [tilespmem:$0x1B2A0]  }
0x22: {  	v62 =	vld [tilespmem:$0x1B230]  }
0x23: {  	[tilespmem:$0x1FF40] =	vst v4;
	v4 =	vld [tilespmem:$0x1B2C0]  }
0x24: {  	[tilespmem:$0x1FF80] =	vst v3;
	v3 =	vld [tilespmem:$0x1B2F0];
	_ =	sdelay $0x1  }
0x25: {  	[tilespmem:$0x1FF50] =	vst v0;
	v0 =	vld [tilespmem:$0x1B2B0]  }
0x26: {  	[tilespmem:$0x1FFA0] =	vst v62  }
0x27: {  	[tilespmem:$0x1FF60] =	vst v4;
	v4 =	vld [tilespmem:$0x1B2D0]  }
0x28: {  	[tilespmem:$0x1FF90] =	vst v3  }
0x29: {  	[tilespmem:s13], [sflag:$0x1] =	stream.indirect.gather [hbm4b:s1+s12], $0x80, s4, s12, $0xb8;
	[tilespmem:$0x1B300] =	vst v63  }
0x2a: {  	[tilespmem:$0x1FFB0] =	vst v0  }
0x2b: {  	[tilespmem:s14], [sflag:$0x3] =	stream.indirect.gather [hbm4b:s5+s12], $0x80, s12, s12, $0xb8;
	[tilespmem:$0x1B300] =	vst v63  }
0x2c: {  	s26 =	simm.s32 $0x0;
	[tilespmem:$0x1FF70] =	vst v4  }
.LBB2_2:
0x2d: {  	s28 =	sshllo.u32 s26, $0x1  }
0x2e: {  	s2 =	sshll.u32 s28, $0x8  }
0x2f: {  	s2 =	sand.u32 $0x3FFFFF00, s2  }
0x30: {  	[tilespmem:s15], [sflag:$0x2] =	stream.indirect.gather [hbm4b:s1+s12], $0x80, s2, s12, $0xb8;
	[tilespmem:$0x1B300] =	vst v63  }
0x31: {  	s2 =	sor.u32 $0x80, s2  }
0x32: {  	[tilespmem:s16], [sflag:$0x4] =	stream.indirect.gather [hbm4b:s5+s12], $0x80, s2, s12, $0xb8;
	[tilespmem:$0x1B300] =	vst v63  }
0x33: {  	_ =	swait.ge [sflag:s17], $0x4000  }
0x34: {  	[sflag:s17] =	ssyncset.done $0x0  }
0x35: {  	[sflag:s17] =	ssyncadd.s32 $0xFFFFC000  }
0x36: {  	_ =	swait.ge [sflag:s18], $0x4000  }
0x37: {  	p0 =	seq.s32 s26, $0x0;
	[sflag:s18] =	ssyncset.done $0x0  }
0x38: {  	s2 =	simm.s32 @!p0 $0x5;
	[sflag:s18] =	ssyncadd.s32 $0xFFFFC000  }
0x39: {  	_ =	swait.ge @!p0 [sflag:s2], $0x4000  }
0x3a: {  	[sflag:s2] =	ssyncset.done @!p0 $0x0  }
0x3b: {  	s29 =	simm.s32 $0x0;
	[sflag:s2] =	ssyncadd.s32 @!p0 $0xFFFFC000  }
0x3c: {  	v21 =	vld [tilespmem:s29+$0xB2E0]  }
0x3d: {  	v24 =	vld [tilespmem:s29+$0xB260]  }
0x3e: {  	v25 =	vld [tilespmem:s29+$0x3260]  }
0x3f: {  	v23 =	vld [tilespmem:s29+$0x3270]  }
0x40: {  	v26 =	vld [tilespmem:s29+$0xB270]  }
0x41: {  	v22 =	vld [tilespmem:s29+$0x32D0]  }
0x42: {  	v27 =	vld [tilespmem:s29+$0x32A0]  }
0x43: {  	v28 =	vld [tilespmem:s29+$0xB2D0]  }
0x44: {  	v29 =	vld [tilespmem:s29+$0xB2B0]  }
0x45: {  	v30 =	vld [tilespmem:s29+$0xB210]  }
0x46: {  	v20 =	vld [tilespmem:s29+$0x32C0]  }
0x47: {  	v31 =	vld [tilespmem:s29+$0xB2C0]  }
0x48: {  	v32 =	vld [tilespmem:s29+$0xB2A0]  }
0x49: {  	v34 =	vld [tilespmem:s29+$0x3210]  }
0x4a: {  	v35 =	vld [tilespmem:s29+$0xB290]  }
0x4b: {  	v33 =	vld [tilespmem:s29+$0x32B0]  }
0x4c: {  	v36 =	vld [tilespmem:s29+$0x3280]  }
0x4d: {  	v37 =	vld [tilespmem:s29+$0xB280]  }
0x4e: {  	v38 =	vld [tilespmem:s29+$0x3290]  }
0x4f: {  	v39 =	vld [tilespmem:s29+$0x32E0]  }
0x50: {  	v40 =	vld [tilespmem:s29+$0xB2F0]  }
0x51: {  	v41 =	vld [tilespmem:s29+$0x32F0]  }
0x52: {  	v42 =	vld [tilespmem:s29+$0xB200]  }
0x53: {  	v43 =	vld [tilespmem:s29+$0x3200]  }
0x54: {  	v44 =	vld [tilespmem:s29+$0x3220]  }
0x55: {  	v7 =	vld [tilespmem:s29+$0xB240]  }
0x56: {  	v8 =	vld [tilespmem:s29+$0xB250];
	v20 =	vadd.f32 v31, v20  }
0x57: {  	v12 =	vld [tilespmem:s29+$0x3250];
	v22 =	vadd.f32 v28, v22;
	v28 =	vadd.f32 v26, v23  }
0x58: {  	v31 =	vld [tilespmem:s29+$0xB220];
	v23 =	vadd.f32 v32, v27;
	v48 =	vadd.f32 v29, v33  }
0x59: {  	v27 =	vld [tilespmem:s29+$0xB230];
	v29 =	vadd.f32 v37, v36;
	v25 =	vadd.f32 v24, v25  }
0x5a: {  	v24 =	vld [tilespmem:s29+$0x3230];
	v30 =	vadd.f32 v30, v34;
	v32 =	vadd.f32 v42, v43  }
0x5b: {  	v35 =	vadd.f32 v35, v38;
	v26 =	vadd.f32 v21, v39;
	v21 =	vld [tilespmem:s29+$0x3240]  }
0x5c: {  	v36 =	vadd.f32 v8, v12;
	v9 =	vmul.f32 v30, v30;
	v10 =	vmul.f32 v32, v32  }
0x5d: {  	v43 =	vadd.f32 v30, v32;
	v31 =	vadd.f32 v31, v44  }
0x5e: {  	v11 =	vadd.f32 v35, v29;
	v14 =	vmul.f32 v29, v29;
	v37 =	vadd.f32 v9, v10  }
0x5f: {  	v27 =	vadd.f32 v27, v24;
	v13 =	vmul.f32 v31, v31;
	v15 =	vadd.f32 v31, v43  }
0x60: {  	v17 =	vmul.f32 v35, v35;
	v24 =	vadd.f32 v40, v41;
	v41 =	vadd.f32 v7, v21  }
0x61: {  	v16 =	vmul.f32 v27, v27;
	v21 =	vadd.f32 v13, v37;
	v19 =	vadd.f32 v27, v15  }
0x62: {  	v46 =	vmul.f32 v23, v23;
	v18 =	vadd.f32 v23, v11;
	v37 =	vadd.f32 v17, v14  }
0x63: {  	v45 =	vmul.f32 v41, v41;
	v21 =	vadd.f32 v16, v21;
	v39 =	vadd.f32 v41, v19  }
0x64: {  	v49 =	vmul.f32 v48, v48;
	v38 =	vadd.f32 v48, v18;
	v37 =	vadd.f32 v46, v37  }
0x65: {  	v47 =	vmul.f32 v36, v36;
	v21 =	vadd.f32 v45, v21;
	v39 =	vadd.f32 v36, v39  }
0x66: {  	v51 =	vmul.f32 v20, v20;
	v38 =	vadd.f32 v20, v38;
	v37 =	vadd.f32 v49, v37  }
0x67: {  	v50 =	vmul.f32 v25, v25;
	v21 =	vadd.f32 v47, v21;
	v39 =	vadd.f32 v25, v39  }
0x68: {  	v53 =	vmul.f32 v22, v22;
	v38 =	vadd.f32 v22, v38;
	v37 =	vadd.f32 v51, v37  }
0x69: {  	v52 =	vmul.f32 v28, v28;
	v21 =	vadd.f32 v50, v21;
	v39 =	vadd.f32 v28, v39  }
0x6a: {  	v54 =	vmul.f32 v26, v26;
	v38 =	vadd.f32 v26, v38;
	v34 =	vadd.f32 v53, v37  }
0x6b: {  	v21 =	vadd.f32 v52, v21;
	v55 =	vperm.xlane v39, v59  }
0x6c: {  	v58 =	vmul.f32 v24, v24;
	v56 =	vadd.f32 v24, v38;
	v34 =	vadd.f32 v54, v34  }
0x6d: {  	v57 =	vperm.xlane v21, v59;
	v39 =	vadd.f32 v39, v55  }
0x6e: {  	v60 =	vperm.xlane v56, v59;
	v34 =	vadd.f32 v58, v34  }
0x6f: {  	v21 =	vadd.f32 v57, v21;
	v62 =	vperm.xlane v39, v6  }
0x70: {  	v37 =	vadd.f32 v56, v60;
	v5 =	vperm.xlane v34, v59  }
0x71: {  	v63 =	vperm.xlane v21, v6;
	v4 =	vadd.f32 v39, v62  }
0x72: {  	v7 =	vperm.xlane v37, v6;
	v34 =	vadd.f32 v5, v34  }
0x73: {  	v21 =	vadd.f32 v63, v21;
	v8 =	vperm.xlane v4, v1  }
0x74: {  	v37 =	vadd.f32 v37, v7;
	v10 =	vperm.xlane v34, v6  }
0x75: {  	v9 =	vperm.xlane v21, v1;
	v38 =	vadd.f32 v4, v8  }
0x76: {  	v11 =	vperm.xlane v37, v1;
	v34 =	vadd.f32 v10, v34  }
0x77: {  	s30 =	simm.s32 $0x100;
	v21 =	vadd.f32 v9, v21;
	v42 =	vperm.xlane v38, v61  }
0x78: {  	v44 =	vld [tilespmem:s30+$0x3260];
	v37 =	vadd.f32 v37, v11;
	v13 =	vperm.xlane v34, v1  }
0x79: {  	v18 =	vld [tilespmem:s30+$0x32F0];
	v12 =	vperm.xlane v21, v61;
	v38 =	vadd.f32 v38, v42  }
0x7a: {  	v43 =	vld [tilespmem:s30+$0xB260];
	v14 =	vperm.xlane v37, v61;
	v42 =	vadd.f32 v13, v34  }
0x7b: {  	v17 =	vld [tilespmem:s30+$0x32D0];
	v21 =	vadd.f32 v12, v21;
	v38 =	vmul.f32 $7.812500000e-03, v38  }
0x7c: {  	v45 =	vld [tilespmem:s30+$0x3270];
	v15 =	vadd.f32 v37, v14;
	v46 =	vperm.xlane v42, v61  }
0x7d: {  	v60 =	vld [tilespmem:s30+$0x3280];
	v21 =	vmul.f32 $7.812500000e-03, v21;
	v16 =	vmul.f32 v38, v38  }
0x7e: {  	v54 =	vld [tilespmem:s30+$0xB2B0];
	v34 =	vmul.f32 $7.812500000e-03, v15  }
0x7f: {  	v39 =	vld [tilespmem:s30+$0xB2E0];
	v10 =	vadd.f32 v46, v42;
	v21 =	vsub.f32 v21, v16  }
0x80: {  	v4 =	vld [tilespmem:s30+$0xB200];
	v11 =	vmul.f32 v34, v34  }
0x81: {  	v14 =	vld [tilespmem:s30+$0x32B0];
	v47 =	vsub.f32 v28, v38;
	v40 =	vmul.f32 $7.812500000e-03, v10;
	v28 =	vadd.f32 $9.999999960e-13, v21  }
0x82: {  	v55 =	vsub.f32 v31, v38;
	v21 =	vsub.f32 v30, v38;
	v30 =	vld [tilespmem:s30+$0x32C0]  }
0x83: {  	v40 =	vsub.f32 v40, v11;
	v31 =	vshra.s32 v28, $0x1;
	v56 =	vmul.f32 $5.000000000e-01, v28;
	v28 =	vld [tilespmem:s30+$0xB2C0]  }
0x84: {  	v9 =	vld [tilespmem:s30+$0x32A0]  }
0x85: {  	v13 =	vld [tilespmem:s30+$0xB290];
	v57 =	vsub.f32 v27, v38;
	v27 =	vsub.s32 $0x5F3759DF, v31;
	v31 =	vadd.f32 $9.999999960e-13, v40  }
0x86: {  	v49 =	vsub.f32 v29, v34;
	v53 =	vsub.f32 v25, v38;
	v25 =	vld [tilespmem:s30+$0xB2D0]  }
0x87: {  	v7 =	vsub.f32 v23, v34;
	v3 =	vsub.f32 v22, v34;
	v16 =	vld [tilespmem:s30+$0xB280];
	v23 =	vshra.s32 v31, $0x1  }
0x88: {  	v29 =	vmul.f32 v27, v56;
	v22 =	vsub.s32 $0x5F3759DF, v23;
	v23 =	vadd.f32 v28, v30;
	v30 =	vld [tilespmem:s30+$0x3290]  }
0x89: {  	v50 =	vsub.f32 v35, v34;
	v5 =	vsub.f32 v20, v34;
	v11 =	vld [tilespmem:s30+$0x3200]  }
0x8a: {  	v12 =	vld [tilespmem:s30+$0xB2A0];
	v35 =	vsub.f32 v26, v34;
	v15 =	vmul.f32 $5.000000000e-01, v31;
	v29 =	vmul.f32 v27, v29  }
0x8b: {  	v26 =	vld [tilespmem:s30+$0x32E0];
	v2 =	vadd.f32 v54, v14;
	v51 =	vsub.f32 v36, v38  }
0x8c: {  	v37 =	vld [tilespmem:s30+$0xB270];
	v25 =	vadd.f32 v25, v17;
	v28 =	vmul.f32 v22, v15;
	v20 =	vsub.f32 $1.500000000e+00, v29  }
0x8d: {  	v17 =	vld [tilespmem:s30+$0xB2F0];
	v29 =	vadd.f32 v16, v60;
	v30 =	vadd.f32 v13, v30  }
0x8e: {  	v62 =	vld [tilespmem:s30+$0x3210];
	v40 =	vadd.f32 v4, v11;
	v36 =	vmul.f32 v27, v20;
	v27 =	vmul.f32 v22, v28  }
0x8f: {  	v14 =	vld [tilespmem:s30+$0xB220];
	v28 =	vadd.f32 v12, v9;
	v12 =	vadd.f32 v30, v29  }
0x90: {  	v42 =	vld [tilespmem:s30+$0xB210];
	v19 =	vmul.f32 v36, v56;
	v46 =	vsub.f32 $1.500000000e+00, v27;
	v27 =	vadd.f32 v39, v26  }
0x91: {  	v11 =	vld [tilespmem:s30+$0x3240];
	v26 =	vmul.f32 v29, v29;
	v13 =	vmul.f32 v30, v30;
	v8 =	vadd.f32 v28, v12  }
0x92: {  	v31 =	vadd.f32 v37, v45;
	v16 =	vld [tilespmem:s30+$0x3220];
	v45 =	vmul.f32 v22, v46;
	v22 =	vadd.f32 v17, v18  }
0x93: {  	v10 =	vmul.f32 v19, v36;
	v18 =	vld [tilespmem:s30+$0x3230];
	v9 =	vadd.f32 v13, v26;
	v26 =	vadd.f32 v2, v8  }
0x94: {  	v52 =	vsub.f32 v32, v38;
	v32 =	vadd.f32 v43, v44;
	v19 =	vld [tilespmem:s30+$0xB240]  }
0x95: {  	v43 =	vsub.f32 $1.500000000e+00, v10;
	v15 =	vmul.f32 v45, v15;
	v10 =	vld [tilespmem:s30+$0xB230];
	v26 =	vadd.f32 v23, v26  }
0x96: {  	v58 =	vsub.f32 v41, v38;
	v37 =	vadd.f32 v42, v62;
	v60 =	vmul.f32 v28, v28  }
0x97: {  	v39 =	vadd.f32 v14, v16;
	v17 =	vmul.f32 v15, v45;
	v15 =	vadd.f32 v25, v26  }
0x98: {  	v0 =	vld [tilespmem:$0x1FFC0];
	v14 =	vadd.f32 v37, v40;
	v36 =	vmul.f32 v43, v36;
	v4 =	vadd.f32 v60, v9  }
0x99: {  	v16 =	vld [tilespmem:s30+$0x3250];
	v42 =	vadd.f32 v19, v11;
	v11 =	vmul.f32 v2, v2;
	v33 =	vadd.f32 v27, v15  }
0x9a: {  	v13 =	vld [tilespmem:s30+$0xB250];
	v43 =	vmul.f32 v36, v55;
	v55 =	vadd.f32 v39, v14;
	v41 =	vadd.f32 v10, v18  }
0x9b: {  	v62 =	vmul.f32 v37, v37;
	v46 =	vadd.f32 v11, v4;
	v4 =	vld [tilespmem:$0x1FF10];
	v33 =	vadd.f32 v22, v33  }
0x9c: {  	v38 =	vmul.f32 v36, v57;
	v26 =	vmul.f32 v40, v40  }
0x9d: {  	v12 =	vsub.f32 $1.500000000e+00, v17;
	v55 =	vadd.f32 v41, v55;
	v9 =	vperm.xlane v33, v0;
	v0 =	vld [tilespmem:$0x1FF80]  }
0x9e: {  	v53 =	vmul.f32 v36, v53;
	v18 =	vmul.f32 v39, v39;
	v17 =	vadd.f32 v62, v26  }
0x9f: {  	v26 =	vmul.f32 v12, v45;
	v45 =	vadd.f32 v13, v16;
	v55 =	vadd.f32 v42, v55  }
0xa0: {  	v8 =	vmul.f32 v41, v41;
	v57 =	vadd.f32 v18, v17;
	v53 =	vmul.f32 v53, v4  }
0xa1: {  	v55 =	vadd.f32 v45, v55  }
0xa2: {  	v10 =	vmul.f32 v42, v42;
	v57 =	vadd.f32 v8, v57;
	v53 =	vadd.f32 v53, v0;
	v0 =	vld [tilespmem:$0x1FFC0]  }
0xa3: {  	v55 =	vadd.f32 v32, v55  }
0xa4: {  	v12 =	vmul.f32 v45, v45;
	v57 =	vadd.f32 v10, v57  }
0xa5: {  	v55 =	vadd.f32 v31, v55  }
0xa6: {  	v14 =	vmul.f32 v32, v32;
	v57 =	vadd.f32 v12, v57  }
0xa7: {  	v17 =	vperm.xlane v55, v0;
	v0 =	vld [tilespmem:$0x1FFC0]  }
0xa8: {  	v54 =	vmul.f32 v31, v31;
	v15 =	vld [tilespmem:$0x1FEC0];
	v57 =	vadd.f32 v14, v57  }
0xa9: {  	v16 =	vld [tilespmem:$0x1FF00]  }
0xaa: {  	v13 =	vmul.f32 v23, v23;
	v18 =	vld [tilespmem:$0x1FF30];
	v54 =	vadd.f32 v54, v57  }
0xab: {  	v52 =	vmul.f32 v36, v52  }
0xac: {  	v19 =	vmul.f32 v25, v25;
	v46 =	vadd.f32 v13, v46;
	v4 =	vperm.xlane v54, v0;
	v0 =	vld [tilespmem:$0x1FF70]  }
0xad: {  	v51 =	vmul.f32 v36, v51;
	v52 =	vmul.f32 v52, v15;
	v33 =	vadd.f32 v33, v9  }
0xae: {  	v46 =	vadd.f32 v19, v46  }
0xaf: {  	v51 =	vmul.f32 v51, v16;
	v19 =	vadd.f32 v52, v18;
	v52 =	vld [tilespmem:$0x1FF20];
	v59 =	vperm.xlane v33, v6;
	_ =	sdelay $0x1  }
0xb0: {  	v33 =	vadd.f32 v33, v59;
	v51 =	vadd.f32 v51, v0;
	v0 =	vld [tilespmem:$0x1FF90]  }
0xb1: {  	v47 =	vmul.f32 v36, v47  }
0xb2: {  	v61 =	vld [tilespmem:$0x1FFE0];
	v59 =	vperm.xlane v33, v1  }
0xb3: {  	v47 =	vmul.f32 v47, v52  }
0xb4: {  	v63 =	vmul.f32 v27, v27;
	v33 =	vadd.f32 v33, v59  }
0xb5: {  	v60 =	vadd.f32 v55, v17;
	v47 =	vadd.f32 v47, v0;
	v0 =	vld [tilespmem:$0x1FFC0]  }
0xb6: {  	v56 =	vmul.f32 v22, v22;
	v44 =	vmul.f32 v36, v58;
	v15 =	vld [tilespmem:$0x1FEE0];
	v46 =	vadd.f32 v63, v46  }
0xb7: {  	v14 =	vld [tilespmem:$0x1FED0];
	v59 =	vperm.xlane v33, v61;
	v58 =	vperm.xlane v60, v6;
	v55 =	vadd.f32 v4, v54  }
0xb8: {  	v46 =	vadd.f32 v56, v46;
	v12 =	vmul.f32 v26, v7  }
0xb9: {  	v52 =	vadd.f32 v33, v59;
	v59 =	vld [tilespmem:$0x1FF40];
	v8 =	vadd.f32 v60, v58;
	v9 =	vperm.xlane v55, v6  }
0xba: {  	v24 =	vsub.f32 v24, v34;
	v50 =	vmul.f32 v26, v50;
	v63 =	vld [tilespmem:$0x1FEF0];
	v10 =	vperm.xlane v46, v0  }
0xbb: {  	v16 =	vmul.f32 v12, v15;
	v11 =	vperm.xlane v8, v1;
	v13 =	vadd.f32 v9, v55;
	v0 =	vld [tilespmem:$0x1FF50]  }
0xbc: {  	[tilespmem:s29+$0x13200] =	vst v19;
	v50 =	vmul.f32 v50, v14;
	v17 =	vmul.f32 v26, v5;
	v46 =	vadd.f32 v10, v46  }
0xbd: {  	[tilespmem:s29+$0x13260] =	vst v53;
	v54 =	vmul.f32 v26, v49;
	v49 =	vadd.f32 v8, v11;
	v18 =	vperm.xlane v13, v1  }
0xbe: {  	v33 =	vsub.f32 v48, v34;
	v60 =	vadd.f32 v50, v59;
	[tilespmem:s29+$0x13250] =	vst v51;
	v19 =	vperm.xlane v46, v6  }
0xbf: {  	v50 =	vmul.f32 v26, v3;
	v51 =	vperm.xlane v49, v61;
	[tilespmem:s29+$0x13270] =	vst v47;
	v47 =	vadd.f32 v18, v13  }
0xc0: {  	s31 =	simm.s32 $0x800;
	v62 =	vld [tilespmem:$0x1FFA0];
	[tilespmem:s29+$0x13290] =	vst v60;
	v34 =	vadd.f32 v16, v0;
	v48 =	vadd.f32 v19, v46;
	v46 =	vmul.f32 v17, v63  }
.LBB2_3:
0xc1: {  	v12 =	vld [tilespmem:$0x1FEC0]  }
0xc2: {  	v18 =	vld [tilespmem:$0x1FF30]  }
0xc3: {  	v0 =	vld [tilespmem:$0x1FF60]  }
0xc4: {  	v17 =	vld [tilespmem:$0x1FF10]  }
0xc5: {  	v14 =	vld [tilespmem:$0x1FEE0]  }
0xc6: {  	v15 =	vld [tilespmem:$0x1FEF0]  }
0xc7: {  	v3 =	vld [tilespmem:$0x1FF80]  }
0xc8: {  	s2 =	sshra.s32 s31, $0x2;
	v35 =	vmul.f32 v26, v35;
	v20 =	vld [tilespmem:$0x1FFB0];
	v53 =	vmul.f32 v54, v12  }
0xc9: {  	v56 =	vld [tilespmem:s2+$0xB2E0];
	v49 =	vadd.f32 v49, v51  }
0xca: {  	v7 =	vperm.xlane v47, v61;
	v57 =	vld [tilespmem:s2+$0xB260];
	v35 =	vmul.f32 v35, v17;
	v53 =	vadd.f32 v53, v18  }
0xcb: {  	v8 =	vperm.xlane v48, v1;
	v58 =	vld [tilespmem:s2+$0x3260];
	v46 =	vadd.f32 v46, v0  }
0xcc: {  	v55 =	vld [tilespmem:s2+$0x3270];
	v49 =	vmul.f32 $7.812500000e-03, v49;
	v47 =	vadd.f32 v7, v47;
	v35 =	vadd.f32 v35, v3;
	[tilespmem:s29+$0x13280] =	vst v53  }
0xcd: {  	v48 =	vadd.f32 v8, v48;
	v59 =	vmul.f32 v43, v14;
	v53 =	vld [tilespmem:s2+$0xB270];
	[tilespmem:s29+$0x132C0] =	vst v46  }
0xce: {  	v47 =	vmul.f32 $7.812500000e-03, v47;
	v9 =	vmul.f32 v49, v49;
	v60 =	vld [tilespmem:s2+$0x32D0];
	[tilespmem:s29+$0x132E0] =	vst v35  }
0xcf: {  	v43 =	vsub.f32 v40, v49;
	v40 =	vsub.f32 v31, v49;
	v31 =	vperm.xlane v48, v61;
	v61 =	vld [tilespmem:s2+$0x32A0]  }
0xd0: {  	v54 =	vsub.f32 v32, v49;
	v32 =	vmul.f32 v38, v62;
	v10 =	vsub.f32 v47, v9;
	v38 =	vld [tilespmem:s2+$0xB2D0]  }
0xd1: {  	v36 =	vmul.f32 v36, v21;
	v37 =	vsub.f32 v37, v49;
	v31 =	vadd.f32 v31, v48;
	v62 =	vld [tilespmem:s2+$0xB2B0]  }
0xd2: {  	v44 =	vmul.f32 v44, v15;
	v46 =	vmul.f32 $7.812500000e-03, v52;
	v35 =	vadd.f32 $9.999999960e-13, v10;
	v63 =	vld [tilespmem:s2+$0xB210]  }
0xd3: {  	v45 =	vsub.f32 v45, v49;
	v39 =	vsub.f32 v39, v49;
	v21 =	vmovc v37;
	v31 =	vmul.f32 $7.812500000e-03, v31;
	v37 =	vld [tilespmem:s2+$0x32C0]  }
0xd4: {  	v11 =	vmul.f32 v46, v46;
	v16 =	vld [tilespmem:s2+$0xB2C0];
	v13 =	vshra.s32 v35, $0x1;
	v4 =	vmul.f32 $5.000000000e-01, v35  }
0xd5: {  	v47 =	vsub.f32 v25, v46;
	v25 =	vadd.f32 v44, v0;
	v0 =	vld [tilespmem:$0x1FF50];
	v5 =	vsub.s32 $0x5F3759DF, v13  }
0xd6: {  	v41 =	vsub.f32 v41, v49;
	v31 =	vsub.f32 v31, v11;
	v13 =	vld [tilespmem:$0x1FED0];
	v19 =	vmul.f32 v5, v4  }
0xd7: {  	v42 =	vsub.f32 v42, v49;
	v52 =	vsub.f32 v29, v46;
	v29 =	vld [tilespmem:s2+$0xB2A0]  }
0xd8: {  	v49 =	vsub.f32 v28, v46;
	v28 =	vadd.f32 $9.999999960e-13, v31;
	v31 =	vmul.f32 v5, v19;
	v19 =	vld [tilespmem:$0x1FF40]  }
0xd9: {  	v6 =	vld [tilespmem:s2+$0x3210]  }
0xda: {  	v51 =	vsub.f32 v30, v46;
	v44 =	vld [tilespmem:s2+$0x32B0];
	v7 =	vshra.s32 v28, $0x1  }
0xdb: {  	v8 =	vmul.f32 $5.000000000e-01, v28;
	v28 =	vadd.f32 v59, v0;
	v59 =	vld [tilespmem:s2+$0x3280];
	v30 =	vmul.f32 v36, v13  }
0xdc: {  	v32 =	vadd.f32 v32, v20;
	v48 =	vsub.f32 v23, v46;
	v36 =	vld [tilespmem:s2+$0xB290];
	[tilespmem:s29+$0x13240] =	vst v25  }
0xdd: {  	v23 =	vadd.f32 v16, v37;
	v37 =	vld [tilespmem:s2+$0xB280];
	[tilespmem:s29+$0x13220] =	vst v28;
	v30 =	vadd.f32 v30, v19  }
0xde: {  	v9 =	vsub.f32 $1.500000000e+00, v31;
	v11 =	vld [tilespmem:s2+$0x3290];
	[tilespmem:s29+$0x13230] =	vst v32  }
0xdf: {  	v35 =	vsub.f32 v27, v46;
	v7 =	vsub.s32 $0x5F3759DF, v7;
	v25 =	vadd.f32 v38, v60;
	v27 =	vld [tilespmem:s2+$0x32E0];
	[tilespmem:s29+$0x13210] =	vst v30  }
0xe0: {  	v10 =	vmul.f32 v7, v8;
	v28 =	vadd.f32 v29, v61;
	v5 =	vmul.f32 v5, v9;
	v61 =	vld [tilespmem:s2+$0xB2F0]  }
0xe1: {  	v31 =	vadd.f32 v53, v55;
	v53 =	vadd.f32 v62, v44;
	v62 =	vld [tilespmem:s2+$0x32F0]  }
0xe2: {  	v32 =	vadd.f32 v57, v58;
	v60 =	vmul.f32 v7, v10;
	v4 =	vmul.f32 v5, v4  }
0xe3: {  	v29 =	vadd.f32 v37, v59;
	v59 =	vld [tilespmem:s2+$0xB200];
	v30 =	vadd.f32 v36, v11  }
0xe4: {  	v9 =	vsub.f32 $1.500000000e+00, v60;
	v4 =	vmul.f32 v4, v5;
	v57 =	vld [tilespmem:s2+$0xB220];
	v27 =	vadd.f32 v56, v27  }
0xe5: {  	v60 =	vld [tilespmem:s2+$0x3220];
	v36 =	vmul.f32 v29, v29;
	v37 =	vadd.f32 v30, v29;
	v56 =	vmul.f32 v30, v30  }
0xe6: {  	v11 =	vld [tilespmem:s2+$0xB250];
	v7 =	vmul.f32 v7, v9;
	v4 =	vsub.f32 $1.500000000e+00, v4;
	v10 =	vadd.f32 v61, v62  }
0xe7: {  	v9 =	vld [tilespmem:s2+$0x3200];
	v38 =	vadd.f32 v56, v36;
	v56 =	vadd.f32 v28, v37  }
0xe8: {  	v8 =	vmul.f32 v7, v8;
	v36 =	vmul.f32 v4, v5;
	v4 =	vld [tilespmem:s2+$0xB230];
	v61 =	vsub.f32 v22, v46  }
0xe9: {  	v37 =	vadd.f32 v63, v6;
	v6 =	vld [tilespmem:s2+$0x3230];
	v5 =	vmul.f32 v10, v10;
	v22 =	vmovc v10;
	v10 =	vadd.f32 v53, v56  }
0xea: {  	v63 =	vmul.f32 v36, v43;
	v43 =	vmul.f32 v36, v39;
	v39 =	vadd.f32 v57, v60;
	v57 =	vld [tilespmem:s2+$0x3250]  }
0xeb: {  	v44 =	vmul.f32 v28, v28  }
0xec: {  	v16 =	vld [tilespmem:$0x1FF00];
	v8 =	vmul.f32 v8, v7;
	v10 =	vadd.f32 v23, v10  }
0xed: {  	v62 =	vld [tilespmem:s2+$0x3240];
	v56 =	vmul.f32 v36, v40;
	v40 =	vadd.f32 v59, v9;
	v59 =	vadd.f32 v44, v38  }
0xee: {  	v9 =	vld [tilespmem:s2+$0xB240];
	v38 =	vmul.f32 v36, v41;
	v41 =	vadd.f32 v4, v6;
	v4 =	vadd.f32 v25, v10  }
0xef: {  	v10 =	vmul.f32 v36, v45;
	v45 =	vadd.f32 v11, v57;
	v11 =	vmul.f32 v63, v12;
	v63 =	vld [tilespmem:$0x1FFC0]  }
0xf0: {  	v8 =	vsub.f32 $1.500000000e+00, v8;
	v4 =	vadd.f32 v27, v4  }
0xf1: {  	v1 =	vld [tilespmem:$0x1FF70];
	v50 =	vmul.f32 v50, v16;
	v44 =	vmul.f32 v36, v42;
	v42 =	vadd.f32 v37, v40  }
0xf2: {  	v6 =	vmul.f32 v8, v7;
	v7 =	vmul.f32 v37, v37;
	v4 =	vadd.f32 v22, v4  }
0xf3: {  	v8 =	vadd.f32 v39, v42;
	v42 =	vadd.f32 v9, v62;
	v9 =	vmul.f32 v40, v40  }
0xf4: {  	v10 =	vmul.f32 v10, v16;
	v16 =	vperm.xlane v4, v63  }
0xf5: {  	v55 =	vmul.f32 v31, v31;
	v57 =	vmul.f32 v39, v39;
	v7 =	vadd.f32 v7, v9  }
0xf6: {  	v50 =	vadd.f32 v50, v1;
	v54 =	vmul.f32 v36, v54;
	v4 =	vadd.f32 v4, v16;
	v16 =	vld [tilespmem:$0x1FFF0]  }
0xf7: {  	v12 =	vmul.f32 v41, v41;
	v8 =	vadd.f32 v41, v8;
	v7 =	vadd.f32 v57, v7  }
0xf8: {  	[tilespmem:s29+$0x132D0] =	vst v50;
	v50 =	vmul.f32 v54, v17;
	v57 =	vmul.f32 v53, v53  }
0xf9: {  	v17 =	vmul.f32 v42, v42;
	v8 =	vadd.f32 v42, v8;
	v7 =	vadd.f32 v12, v7  }
0xfa: {  	v54 =	vmul.f32 v23, v23;
	v11 =	vadd.f32 v11, v18;
	v57 =	vadd.f32 v57, v59  }
0xfb: {  	v62 =	vld [tilespmem:$0x1FFA0];
	v8 =	vadd.f32 v45, v8;
	v7 =	vadd.f32 v17, v7;
	v12 =	vperm.xlane v4, v16  }
0xfc: {  	v9 =	vmul.f32 v45, v45;
	v18 =	vadd.f32 v54, v57;
	v57 =	vadd.f32 v10, v1;
	v1 =	vld [tilespmem:$0x1FFD0]  }
0xfd: {  	v60 =	vmul.f32 v25, v25;
	v8 =	vadd.f32 v32, v8;
	v4 =	vadd.f32 v4, v12;
	v12 =	vld [tilespmem:$0x1FF20]  }
0xfe: {  	v58 =	vmul.f32 v27, v27;
	v17 =	vmul.f32 v32, v32;
	v7 =	vadd.f32 v9, v7  }
0xff: {  	v59 =	vmul.f32 v26, v33;
	v8 =	vadd.f32 v31, v8;
	v18 =	vadd.f32 v60, v18  }
0x100: {  	v50 =	vadd.f32 v50, v3;
	[tilespmem:s30+$0x13200] =	vst v11;
	v11 =	vmul.f32 v26, v24;
	v7 =	vadd.f32 v17, v7  }
0x101: {  	v24 =	vmovc v61;
	v61 =	vld [tilespmem:$0x1FFE0];
	v59 =	vmul.f32 v59, v62;
	v17 =	vperm.xlane v8, v63;
	v33 =	vadd.f32 v58, v18  }
0x102: {  	v3 =	vld [tilespmem:$0x1FF90];
	v26 =	vmovc v6;
	v7 =	vadd.f32 v55, v7;
	v54 =	vmul.f32 v56, v12;
	v56 =	vperm.xlane v4, v1  }
0x103: {  	v18 =	vmul.f32 v26, v51;
	v58 =	vmul.f32 v26, v48;
	v6 =	vadd.f32 v8, v17  }
0x104: {  	v5 =	vadd.f32 v5, v33;
	v60 =	vperm.xlane v7, v63;
	v4 =	vadd.f32 v4, v56  }
0x105: {  	v8 =	vadd.f32 v59, v20;
	v33 =	vsub.f32 v2, v46;
	v17 =	vperm.xlane v6, v16  }
0x106: {  	[tilespmem:s30+$0x13260] =	vst v50;
	v51 =	vperm.xlane v5, v63;
	v7 =	vadd.f32 v60, v7;
	v50 =	vperm.xlane v4, v61  }
0x107: {  	[tilespmem:s30+$0x13250] =	vst v57;
	v6 =	vadd.f32 v6, v17;
	v11 =	vmul.f32 v11, v12;
	v57 =	vadd.f32 v54, v3  }
0x108: {  	v54 =	vmul.f32 v26, v52;
	v52 =	vadd.f32 v4, v50;
	v50 =	vperm.xlane v7, v16  }
0x109: {  	p1 =	sne.s32 s31, $0xFC00;
	v5 =	vadd.f32 v51, v5;
	v55 =	vperm.xlane v6, v1;
	v12 =	vadd.f32 v11, v3  }
.Ltmp0:
0x10a: {  	v56 =	vmul.f32 v26, v49;
	[tilespmem:s30+$0x13270] =	vst v57;
	v4 =	vmul.f32 v18, v13;
	v7 =	vadd.f32 v50, v7;
	(pc) =	sbr.rel @p1 .LBB2_3-.Ltmp0, $4  }
0x10b: {  	v2 =	vmov v53;
	v60 =	vperm.xlane v5, v16;
	v49 =	vadd.f32 v6, v55;
	[tilespmem:s29+$0x132A0] =	vst v34  }
0x10c: {  	v57 =	vmul.f32 v56, v14;
	[tilespmem:s29+$0x132F0] =	vst v12;
	v4 =	vadd.f32 v4, v19;
	v59 =	vperm.xlane v7, v1  }
0x10d: {  	v46 =	vmul.f32 v58, v15;
	v48 =	vadd.f32 v60, v5;
	[tilespmem:s29+$0x132B0] =	vst v8;
	s29 =	smov.u32 s30;
	v51 =	vperm.xlane v49, v61  }
0x10e: {  	s31 =	sadd.s32 $0x400, s31;
	s30 =	smov.u32 s2;
	v34 =	vadd.f32 v57, v0;
	v50 =	vmul.f32 v26, v47;
	[tilespmem:s29+$0x13290] =	vst v4;
	v47 =	vadd.f32 v59, v7  }
0x10f: {  	_ = 	snop  }
0x110: {  	v4 =	vadd.f32 v49, v51;
	v5 =	vperm.xlane v47, v61;
	_ =	sdelay $0x1  }
0x111: {  	v4 =	vmul.f32 $7.812500000e-03, v4;
	v5 =	vadd.f32 v5, v47  }
0x112: {  	v6 =	vperm.xlane v48, v1  }
0x113: {  	v7 =	vmul.f32 v4, v4;
	v5 =	vmul.f32 $7.812500000e-03, v5  }
0x114: {  	v6 =	vadd.f32 v6, v48  }
0x115: {  	v5 =	vsub.f32 v5, v7  }
0x116: {  	v8 =	vperm.xlane v6, v61  }
0x117: {  	v5 =	vadd.f32 $9.999999960e-13, v5  }
0x118: {  	v6 =	vadd.f32 v8, v6;
	v7 =	vmul.f32 $7.812500000e-03, v52  }
0x119: {  	v58 =	vld [tilespmem:$0x1FEC0];
	v9 =	vshra.s32 v5, $0x1;
	v5 =	vmul.f32 $5.000000000e-01, v5  }
0x11a: {  	v59 =	vld [tilespmem:$0x1FF30];
	v6 =	vmul.f32 $7.812500000e-03, v6;
	v52 =	vmul.f32 v7, v7;
	v9 =	vsub.s32 $0x5F3759DF, v9  }
0x11b: {  	v0 =	vld [tilespmem:$0x1FF60];
	v53 =	vmul.f32 v9, v5  }
0x11c: {  	v11 =	vmul.f32 v26, v35;
	v16 =	vld [tilespmem:$0x1FF10];
	v38 =	vmul.f32 v38, v62;
	v6 =	vsub.f32 v6, v52  }
0x11d: {  	v14 =	vld [tilespmem:$0x1FEE0];
	v45 =	vsub.f32 v45, v4;
	v40 =	vsub.f32 v40, v4;
	v8 =	vmul.f32 v9, v53  }
0x11e: {  	v60 =	vld [tilespmem:$0x1FF80];
	v21 =	vmul.f32 v36, v21;
	v31 =	vsub.f32 v31, v4;
	v6 =	vadd.f32 $9.999999960e-13, v6  }
0x11f: {  	v20 =	vld [tilespmem:$0x1FEF0];
	v24 =	vmul.f32 v26, v24;
	v32 =	vsub.f32 v32, v4;
	v8 =	vsub.f32 $1.500000000e+00, v8  }
0x120: {  	v35 =	vld [tilespmem:$0x1FFB0];
	v10 =	vmul.f32 v54, v58;
	v55 =	vshra.s32 v6, $0x1;
	v6 =	vmul.f32 $5.000000000e-01, v6  }
0x121: {  	v13 =	vld [tilespmem:$0x1FED0];
	v54 =	vadd.f32 v46, v0;
	v46 =	vsub.s32 $0x5F3759DF, v55;
	v8 =	vmul.f32 v9, v8  }
0x122: {  	v19 =	vld [tilespmem:$0x1FF50];
	v37 =	vsub.f32 v37, v4;
	v39 =	vsub.f32 v39, v4;
	v56 =	vmul.f32 v46, v6  }
0x123: {  	v41 =	vsub.f32 v41, v4;
	v11 =	vmul.f32 v11, v16;
	v5 =	vmul.f32 v8, v5  }
0x124: {  	v4 =	vsub.f32 v42, v4;
	v43 =	vmul.f32 v43, v14;
	v17 =	vmul.f32 v46, v56  }
0x125: {  	v15 =	vld [tilespmem:$0x1FF00];
	v51 =	vadd.f32 v38, v35;
	v10 =	vadd.f32 v10, v59;
	v5 =	vmul.f32 v5, v8  }
0x126: {  	v18 =	vld [tilespmem:$0x1FF40];
	v57 =	vmul.f32 v44, v20;
	v11 =	vadd.f32 v11, v60;
	v47 =	vsub.f32 $1.500000000e+00, v17  }
0x127: {  	v12 =	vld [tilespmem:$0x1FF70];
	v21 =	vmul.f32 v21, v13;
	v49 =	vadd.f32 v43, v19;
	v5 =	vsub.f32 $1.500000000e+00, v5  }
0x128: {  	v29 =	vsub.f32 v29, v7;
	v30 =	vsub.f32 v30, v7;
	v48 =	vmul.f32 v46, v47  }
0x129: {  	[tilespmem:s29+$0x132C0] =	vst v54;
	v28 =	vsub.f32 v28, v7;
	v23 =	vsub.f32 v23, v7;
	v5 =	vmul.f32 v5, v8  }
0x12a: {  	[tilespmem:s29+$0x13230] =	vst v51;
	v53 =	vsub.f32 v27, v7;
	v27 =	vmul.f32 v50, v15;
	v6 =	vmul.f32 v48, v6  }
0x12b: {  	v25 =	vsub.f32 v25, v7;
	[tilespmem:s29+$0x13280] =	vst v10;
	v52 =	vadd.f32 v21, v18;
	v17 =	vld [tilespmem:$0x1FF20];
	v21 =	vmul.f32 v5, v32  }
0x12c: {  	[tilespmem:s29+$0x132E0] =	vst v11;
	v27 =	vadd.f32 v27, v12;
	v6 =	vmul.f32 v6, v48;
	v54 =	vmul.f32 v5, v40  }
0x12d: {  	v3 =	vld [tilespmem:$0x1FF90];
	[tilespmem:s29+$0x13220] =	vst v49;
	v9 =	vadd.f32 v57, v0;
	v55 =	vmul.f32 v5, v45;
	v21 =	vmul.f32 v21, v16  }
0x12e: {  	[tilespmem:s29+$0x13210] =	vst v52;
	v6 =	vsub.f32 $1.500000000e+00, v6;
	v56 =	vmul.f32 v5, v31;
	v31 =	vmul.f32 v54, v58  }
0x12f: {  	[tilespmem:s29+$0x132D0] =	vst v27;
	v32 =	vmul.f32 v26, v33;
	v8 =	vmul.f32 v55, v15;
	v57 =	vadd.f32 v21, v60  }
0x130: {  	[tilespmem:s29+$0x13240] =	vst v9;
	v6 =	vmul.f32 v6, v48;
	v10 =	vmul.f32 v56, v17;
	v21 =	vadd.f32 v31, v59  }
0x131: {  	v27 =	vmul.f32 v5, v41;
	v4 =	vmul.f32 v5, v4;
	v8 =	vadd.f32 v8, v12;
	[tilespmem:s30+$0x13260] =	vst v57  }
0x132: {  	v33 =	vmul.f32 v32, v62;
	v10 =	vadd.f32 v10, v3;
	v36 =	vmul.f32 v6, v29;
	[tilespmem:s30+$0x13200] =	vst v21  }
0x133: {  	v22 =	vsub.f32 v22, v7;
	v9 =	vmul.f32 v6, v53;
	v21 =	vmul.f32 v24, v17;
	[tilespmem:s30+$0x13250] =	vst v8  }
0x134: {  	v4 =	vmul.f32 v4, v20;
	[tilespmem:s30+$0x13270] =	vst v10;
	v8 =	vadd.f32 v33, v35;
	v11 =	vmul.f32 v36, v58  }
0x135: {  	v49 =	vmul.f32 v6, v22;
	v9 =	vmul.f32 v9, v16;
	[tilespmem:s29+$0x132A0] =	vst v34;
	v38 =	vadd.f32 v21, v3  }
0x136: {  	v46 =	vmul.f32 v27, v62;
	v24 =	vmul.f32 v6, v30;
	[tilespmem:s29+$0x132B0] =	vst v8;
	v41 =	vadd.f32 v11, v59  }
0x137: {  	v45 =	vmul.f32 v6, v25;
	v51 =	vmul.f32 v49, v17;
	v44 =	vadd.f32 v9, v60;
	[tilespmem:s29+$0x132F0] =	vst v38  }
0x138: {  	v23 =	vmul.f32 v6, v23;
	v4 =	vadd.f32 v4, v0;
	v21 =	vmul.f32 v24, v13;
	[tilespmem:s30+$0x13280] =	vst v41  }
0x139: {  	v10 =	vadd.f32 v46, v35;
	v48 =	vmul.f32 v45, v15;
	v54 =	vadd.f32 v51, v3;
	[tilespmem:s30+$0x132E0] =	vst v44  }
0x13a: {  	v40 =	vadd.f32 v21, v18;
	v21 =	vmul.f32 v23, v20;
	v23 =	vmul.f32 v5, v39;
	[tilespmem:s30+$0x13240] =	vst v4  }
0x13b: {  	v7 =	vsub.f32 v2, v7;
	v5 =	vmul.f32 v5, v37;
	[tilespmem:s30+$0x13230] =	vst v10  }
0x13c: {  	v20 =	vmul.f32 v6, v28;
	v4 =	vadd.f32 v48, v12;
	[tilespmem:s30+$0x132F0] =	vst v54;
	v43 =	vmul.f32 v23, v14  }
0x13d: {  	v6 =	vmul.f32 v6, v7;
	[tilespmem:s30+$0x13290] =	vst v40;
	v42 =	vadd.f32 v21, v0;
	v5 =	vmul.f32 v5, v13  }
0x13e: {  	v50 =	vmul.f32 v20, v14;
	[tilespmem:s30+$0x132D0] =	vst v4;
	v47 =	vadd.f32 v43, v19  }
0x13f: {  	v53 =	vmul.f32 v6, v62;
	[tilespmem:s30+$0x132C0] =	vst v42;
	v5 =	vadd.f32 v5, v18  }
0x140: {  	s2 =	sshll.u32 s26, $0xF;
	v52 =	vadd.f32 v50, v19;
	[tilespmem:s30+$0x13220] =	vst v47  }
0x141: {  	s2 =	sadd.s32 s8, s2;
	[tilespmem:s30+$0x13210] =	vst v5;
	v5 =	vadd.f32 v53, v35  }
0x142: {  	s2 =	sshrl.u32 s2, $0x3;
	[tilespmem:s30+$0x132A0] =	vst v52  }
0x143: {  	p1 =	seq.s32 s26, $0x18;
	s2 =	sadd.s32 s3, s2;
	[tilespmem:s30+$0x132B0] =	vst v5  }
0x144: {  	[hbm4b:s2+s4] =	stream.linear.scatter [tilespmem:s19], [sflag:$0x5], $0x4000, $0x38;
	[tilespmem:$0x1B300] =	vst v63  }
0x145: {  	s2 =	sshll.u32 @!p1 s26, $0x9  }
0x146: {  	s2 =	sand.u32 @!p1 $0x3FFFFE00, s2  }
0x147: {  	s31 =	simm.s32 @!p1 $0x3200;
	s30 =	simm.s32 @!p1 $0x80;
	s29 =	sadd.s32 @!p1 $0x200, s2  }
0x148: {  	[tilespmem:s31], [sflag:$0x1] =	stream.indirect.gather @!p1 [hbm4b:s1+s30], $0x80, s29, s30, $0xb8;
	[tilespmem:$0x1B300] =	vst v63  }
0x149: {  	s2 =	sadd.s32 @!p1 $0x280, s2;
	s29 =	simm.s32 @!p1 $0xB200  }
0x14a: {  	[tilespmem:s29], [sflag:$0x3] =	stream.indirect.gather @!p1 [hbm4b:s5+s30], $0x80, s2, s30, $0xb8;
	[tilespmem:$0x1B300] =	vst v63  }
0x14b: {  	_ =	swait.ge [sflag:s20], $0x4000  }
0x14c: {  	[sflag:s20] =	ssyncset.done $0x0  }
0x14d: {  	[sflag:s20] =	ssyncadd.s32 $0xFFFFC000  }
0x14e: {  	_ =	swait.ge [sflag:s21], $0x4000  }
0x14f: {  	[sflag:s21] =	ssyncset.done $0x0  }
0x150: {  	s2 =	simm.s32 @!p0 $0x6;
	[sflag:s21] =	ssyncadd.s32 $0xFFFFC000  }
0x151: {  	_ =	swait.ge @!p0 [sflag:s2], $0x4000  }
0x152: {  	[sflag:s2] =	ssyncset.done @!p0 $0x0  }
0x153: {  	s29 =	simm.s32 $0x0;
	[sflag:s2] =	ssyncadd.s32 @!p0 $0xFFFFC000  }
0x154: {  	v55 =	vld [tilespmem:s29+$0xF2E0]  }
0x155: {  	v56 =	vld [tilespmem:s29+$0xF260]  }
0x156: {  	v57 =	vld [tilespmem:s29+$0x7260]  }
0x157: {  	v43 =	vld [tilespmem:s29+$0x7270]  }
0x158: {  	v44 =	vld [tilespmem:s29+$0xF270]  }
0x159: {  	v45 =	vld [tilespmem:s29+$0x72D0]  }
0x15a: {  	v46 =	vld [tilespmem:s29+$0x72A0]  }
0x15b: {  	v47 =	vld [tilespmem:s29+$0xF2D0]  }
0x15c: {  	v20 =	vld [tilespmem:s29+$0xF2B0]  }
0x15d: {  	v21 =	vld [tilespmem:s29+$0xF210]  }
0x15e: {  	v22 =	vld [tilespmem:s29+$0x72C0]  }
0x15f: {  	v23 =	vld [tilespmem:s29+$0xF2C0]  }
0x160: {  	v24 =	vld [tilespmem:s29+$0xF2A0]  }
0x161: {  	v25 =	vld [tilespmem:s29+$0x7210]  }
0x162: {  	v26 =	vld [tilespmem:s29+$0xF290]  }
0x163: {  	v27 =	vld [tilespmem:s29+$0x72B0]  }
0x164: {  	v28 =	vld [tilespmem:s29+$0x7280]  }
0x165: {  	v29 =	vld [tilespmem:s29+$0xF280]  }
0x166: {  	v31 =	vld [tilespmem:s29+$0x7290]  }
0x167: {  	v48 =	vld [tilespmem:s29+$0x72E0]  }
0x168: {  	v49 =	vld [tilespmem:s29+$0xF2F0]  }
0x169: {  	v50 =	vld [tilespmem:s29+$0x72F0]  }
0x16a: {  	v51 =	vld [tilespmem:s29+$0xF200]  }
0x16b: {  	v52 =	vld [tilespmem:s29+$0xF220]  }
0x16c: {  	v53 =	vld [tilespmem:s29+$0x7220]  }
0x16d: {  	v54 =	vld [tilespmem:s29+$0xF230];
	v30 =	vadd.f32 v23, v22  }
0x16e: {  	v22 =	vld [tilespmem:s29+$0x7200];
	v33 =	vadd.f32 v47, v45;
	v29 =	vadd.f32 v29, v28  }
0x16f: {  	v5 =	vadd.f32 v56, v57;
	v42 =	vadd.f32 v55, v48;
	v55 =	vld [tilespmem:s29+$0x7230]  }
0x170: {  	v45 =	vadd.f32 v26, v31;
	v57 =	vadd.f32 v21, v25;
	v21 =	vld [tilespmem:s29+$0xF240]  }
0x171: {  	v7 =	vadd.f32 v44, v43;
	v41 =	vadd.f32 v24, v46;
	v24 =	vld [tilespmem:s29+$0x7240]  }
0x172: {  	v32 =	vadd.f32 v20, v27;
	v56 =	vmul.f32 v29, v29;
	v23 =	vmul.f32 v45, v45  }
0x173: {  	v44 =	vadd.f32 v49, v50;
	v20 =	vadd.f32 v51, v22  }
0x174: {  	v25 =	vld [tilespmem:s29+$0xF250];
	v8 =	vadd.f32 v52, v53;
	v46 =	vmul.f32 v57, v57;
	v10 =	vadd.f32 v23, v56  }
0x175: {  	v23 =	vld [tilespmem:s29+$0x7250];
	v22 =	vadd.f32 v45, v29;
	v26 =	vmul.f32 v20, v20;
	v27 =	vadd.f32 v57, v20  }
0x176: {  	v4 =	vadd.f32 v54, v55;
	v21 =	vadd.f32 v21, v24;
	v24 =	vmul.f32 v41, v41  }
0x177: {  	v48 =	vmul.f32 v8, v8;
	v47 =	vadd.f32 v46, v26;
	v26 =	vadd.f32 v8, v27  }
0x178: {  	v22 =	vadd.f32 v41, v22;
	v10 =	vadd.f32 v24, v10  }
0x179: {  	v49 =	vmul.f32 v4, v4;
	v6 =	vadd.f32 v48, v47;
	v26 =	vadd.f32 v4, v26  }
0x17a: {  	v22 =	vadd.f32 v32, v22;
	v23 =	vadd.f32 v25, v23  }
0x17b: {  	v50 =	vmul.f32 v21, v21;
	v6 =	vadd.f32 v49, v6;
	v24 =	vadd.f32 v21, v26  }
0x17c: {  	v25 =	vmul.f32 v32, v32;
	v22 =	vadd.f32 v30, v22  }
0x17d: {  	v51 =	vmul.f32 v23, v23;
	v6 =	vadd.f32 v50, v6;
	v24 =	vadd.f32 v23, v24  }
0x17e: {  	v10 =	vadd.f32 v25, v10;
	v26 =	vmul.f32 v30, v30;
	v22 =	vadd.f32 v33, v22  }
0x17f: {  	v52 =	vmul.f32 v5, v5;
	v6 =	vadd.f32 v51, v6;
	v24 =	vadd.f32 v5, v24  }
0x180: {  	v25 =	vmul.f32 v33, v33;
	v10 =	vadd.f32 v26, v10;
	v22 =	vadd.f32 v42, v22  }
0x181: {  	v26 =	vmul.f32 v7, v7;
	v6 =	vadd.f32 v52, v6;
	v24 =	vadd.f32 v7, v24  }
0x182: {  	v2 =	vld [tilespmem:$0x1FFF0];
	v53 =	vmul.f32 v42, v42;
	v10 =	vadd.f32 v25, v10;
	v22 =	vadd.f32 v44, v22  }
0x183: {  	v6 =	vadd.f32 v26, v6;
	v26 =	vperm.xlane v24, v63  }
0x184: {  	v25 =	vmul.f32 v44, v44;
	v9 =	vadd.f32 v53, v10;
	v27 =	vperm.xlane v22, v63  }
0x185: {  	v54 =	vperm.xlane v6, v63;
	v24 =	vadd.f32 v24, v26  }
0x186: {  	v9 =	vadd.f32 v25, v9;
	v55 =	vadd.f32 v22, v27  }
0x187: {  	v6 =	vadd.f32 v54, v6;
	v22 =	vperm.xlane v24, v2  }
0x188: {  	v25 =	vperm.xlane v9, v63;
	v27 =	vperm.xlane v55, v2  }
0x189: {  	s30 =	simm.s32 $0x100;
	v26 =	vperm.xlane v6, v2;
	v22 =	vadd.f32 v24, v22  }
0x18a: {  	v35 =	vld [tilespmem:s30+$0xF2E0];
	v9 =	vadd.f32 v25, v9;
	v10 =	vadd.f32 v55, v27  }
0x18b: {  	v34 =	vld [tilespmem:s30+$0xF260];
	v6 =	vadd.f32 v26, v6;
	v24 =	vperm.xlane v22, v1  }
0x18c: {  	v36 =	vld [tilespmem:s30+$0xF270];
	v25 =	vperm.xlane v9, v2;
	v27 =	vperm.xlane v10, v1  }
0x18d: {  	v37 =	vld [tilespmem:s30+$0x72D0];
	v26 =	vperm.xlane v6, v1;
	v22 =	vadd.f32 v22, v24  }
0x18e: {  	v31 =	vld [tilespmem:s30+$0x7270];
	v9 =	vadd.f32 v25, v9;
	v10 =	vadd.f32 v10, v27  }
0x18f: {  	v38 =	vld [tilespmem:s30+$0xF2D0];
	v6 =	vadd.f32 v26, v6;
	v24 =	vperm.xlane v22, v61  }
0x190: {  	v39 =	vld [tilespmem:s30+$0xF2B0];
	v28 =	vperm.xlane v10, v61;
	v26 =	vperm.xlane v9, v1  }
0x191: {  	v40 =	vld [tilespmem:s30+$0xF210];
	v27 =	vperm.xlane v6, v61;
	v22 =	vadd.f32 v22, v24  }
0x192: {  	v43 =	vld [tilespmem:s30+$0x7210];
	v10 =	vadd.f32 v10, v28;
	v9 =	vadd.f32 v26, v9  }
0x193: {  	v31 =	vadd.f32 v36, v31;
	v36 =	vld [tilespmem:s30+$0xF220];
	v6 =	vadd.f32 v27, v6;
	v26 =	vmul.f32 $7.812500000e-03, v22  }
0x194: {  	v50 =	vld [tilespmem:s30+$0xF2A0];
	v46 =	vmul.f32 $7.812500000e-03, v10;
	v22 =	vperm.xlane v9, v61  }
0x195: {  	v28 =	vld [tilespmem:s30+$0xF290];
	v6 =	vmul.f32 $7.812500000e-03, v6;
	v27 =	vmul.f32 v26, v26  }
0x196: {  	v9 =	vadd.f32 v22, v9;
	v48 =	vsub.f32 v20, v26;
	v20 =	vld [tilespmem:s30+$0xF280]  }
0x197: {  	v22 =	vmul.f32 v46, v46;
	v47 =	vsub.f32 v23, v26;
	v23 =	vld [tilespmem:s30+$0x7290];
	v6 =	vsub.f32 v6, v27  }
0x198: {  	v7 =	vsub.f32 v7, v26;
	v49 =	vsub.f32 v5, v26;
	v9 =	vmul.f32 $7.812500000e-03, v9;
	v27 =	vld [tilespmem:s30+$0x7280]  }
0x199: {  	v24 =	vld [tilespmem:s30+$0x72A0];
	v8 =	vsub.f32 v8, v26;
	v6 =	vadd.f32 $9.999999960e-13, v6  }
0x19a: {  	v25 =	vld [tilespmem:s30+$0x7260];
	v4 =	vsub.f32 v4, v26;
	v9 =	vsub.f32 v9, v22  }
0x19b: {  	v10 =	vld [tilespmem:s30+$0x72C0];
	v55 =	vsub.f32 v21, v26;
	v56 =	vshra.s32 v6, $0x1;
	v6 =	vmul.f32 $5.000000000e-01, v6  }
0x19c: {  	v5 =	vld [tilespmem:s30+$0xF2C0];
	v22 =	vsub.f32 v57, v26;
	v9 =	vadd.f32 $9.999999960e-13, v9;
	v11 =	vsub.s32 $0x5F3759DF, v56  }
0x19d: {  	v52 =	vld [tilespmem:s30+$0x72B0];
	v28 =	vadd.f32 v28, v23;
	v27 =	vadd.f32 v20, v27;
	v51 =	vmul.f32 v11, v6  }
0x19e: {  	v57 =	vld [tilespmem:s30+$0x72E0];
	v26 =	vadd.f32 v50, v24;
	v53 =	vshra.s32 v9, $0x1;
	v9 =	vmul.f32 $5.000000000e-01, v9  }
0x19f: {  	v21 =	vld [tilespmem:s30+$0xF2F0];
	v24 =	vadd.f32 v28, v27;
	v20 =	vmul.f32 v11, v51;
	v51 =	vsub.s32 $0x5F3759DF, v53  }
0x1a0: {  	v34 =	vadd.f32 v34, v25;
	v50 =	vld [tilespmem:s30+$0x72F0];
	v53 =	vmul.f32 v51, v9  }
0x1a1: {  	v23 =	vadd.f32 v5, v10;
	v10 =	vld [tilespmem:s30+$0xF200];
	v56 =	vadd.f32 v26, v24  }
0x1a2: {  	v5 =	vsub.f32 $1.500000000e+00, v20;
	v20 =	vadd.f32 v39, v52;
	v39 =	vld [tilespmem:s30+$0x7200];
	v53 =	vmul.f32 v51, v53  }
0x1a3: {  	v54 =	vld [tilespmem:s30+$0xF230];
	v25 =	vadd.f32 v35, v57;
	v24 =	vadd.f32 v38, v37  }
0x1a4: {  	v52 =	vmul.f32 v27, v27;
	v37 =	vadd.f32 v20, v56;
	v38 =	vsub.f32 $1.500000000e+00, v53;
	v53 =	vld [tilespmem:s30+$0x7220]  }
0x1a5: {  	v21 =	vadd.f32 v21, v50;
	v50 =	vld [tilespmem:s30+$0x7230];
	v56 =	vmul.f32 v28, v28;
	v5 =	vmul.f32 v11, v5  }
0x1a6: {  	v35 =	vadd.f32 v40, v43;
	v57 =	vadd.f32 v23, v37  }
0x1a7: {  	v40 =	vld [tilespmem:s30+$0x7240];
	v6 =	vmul.f32 v5, v6;
	v37 =	vadd.f32 v10, v39;
	v39 =	vadd.f32 v56, v52  }
0x1a8: {  	v10 =	vld [tilespmem:s30+$0xF240];
	v56 =	vmul.f32 v35, v35;
	v51 =	vmul.f32 v51, v38;
	v43 =	vadd.f32 v24, v57  }
0x1a9: {  	v11 =	vld [tilespmem:s30+$0xF250];
	v6 =	vmul.f32 v6, v5;
	v52 =	vadd.f32 v35, v37;
	v36 =	vadd.f32 v36, v53  }
0x1aa: {  	v38 =	vadd.f32 v54, v50;
	v57 =	vmul.f32 v37, v37;
	v53 =	vld [tilespmem:s30+$0x7250];
	v43 =	vadd.f32 v25, v43  }
0x1ab: {  	v9 =	vmul.f32 v51, v9;
	v6 =	vsub.f32 $1.500000000e+00, v6;
	v50 =	vadd.f32 v36, v52  }
0x1ac: {  	v52 =	vadd.f32 v56, v57;
	v54 =	vmul.f32 v36, v36;
	v56 =	vadd.f32 v21, v43  }
0x1ad: {  	v9 =	vmul.f32 v9, v51;
	v40 =	vadd.f32 v10, v40;
	v10 =	vadd.f32 v38, v50  }
0x1ae: {  	v57 =	vmul.f32 v38, v38;
	v50 =	vadd.f32 v54, v52;
	v54 =	vperm.xlane v56, v63  }
0x1af: {  	v43 =	vadd.f32 v11, v53;
	v11 =	vmul.f32 v26, v26;
	v10 =	vadd.f32 v40, v10  }
0x1b0: {  	v50 =	vadd.f32 v57, v50;
	v57 =	vmul.f32 v40, v40;
	v53 =	vadd.f32 v56, v54  }
0x1b1: {  	v11 =	vadd.f32 v11, v39;
	v39 =	vmul.f32 v20, v20;
	v10 =	vadd.f32 v43, v10  }
0x1b2: {  	v50 =	vadd.f32 v57, v50;
	v57 =	vmul.f32 v43, v43;
	v54 =	vperm.xlane v53, v2  }
0x1b3: {  	v11 =	vadd.f32 v39, v11;
	v39 =	vmul.f32 v23, v23;
	v10 =	vadd.f32 v34, v10  }
0x1b4: {  	v52 =	vmul.f32 v34, v34;
	v50 =	vadd.f32 v57, v50;
	v53 =	vadd.f32 v53, v54  }
0x1b5: {  	v57 =	vmul.f32 v24, v24;
	v54 =	vsub.f32 $1.500000000e+00, v9;
	v11 =	vadd.f32 v39, v11  }
0x1b6: {  	v39 =	vmul.f32 v31, v31;
	v10 =	vadd.f32 v31, v10;
	v50 =	vadd.f32 v52, v50  }
0x1b7: {  	v9 =	vsub.f32 v45, v46;
	v56 =	vperm.xlane v53, v1;
	v11 =	vadd.f32 v57, v11  }
0x1b8: {  	v57 =	vmul.f32 v25, v25;
	v52 =	vperm.xlane v10, v63;
	v50 =	vadd.f32 v39, v50  }
0x1b9: {  	v39 =	vmul.f32 v6, v5;
	v5 =	vsub.f32 v29, v46;
	v6 =	vsub.f32 v41, v46  }
0x1ba: {  	v29 =	vmul.f32 v54, v51;
	v11 =	vadd.f32 v57, v11;
	v10 =	vadd.f32 v10, v52  }
0x1bb: {  	v52 =	vadd.f32 v53, v56;
	v57 =	vperm.xlane v50, v63;
	v56 =	vmul.f32 v21, v21  }
0x1bc: {  	v41 =	vsub.f32 v42, v46;
	v7 =	vmul.f32 v39, v7;
	v42 =	vmul.f32 v39, v4  }
0x1bd: {  	v45 =	vmul.f32 v39, v55;
	v49 =	vmul.f32 v39, v49  }
0x1be: {  	v51 =	vsub.f32 v30, v46;
	v47 =	vmul.f32 v39, v47;
	v9 =	vmul.f32 v29, v9  }
0x1bf: {  	v6 =	vmul.f32 v29, v6;
	v50 =	vadd.f32 v57, v50;
	v30 =	vperm.xlane v10, v2  }
0x1c0: {  	v11 =	vadd.f32 v56, v11;
	v57 =	vmul.f32 v39, v48;
	v48 =	vperm.xlane v52, v61  }
0x1c1: {  	v32 =	vsub.f32 v32, v46;
	v47 =	vmul.f32 v47, v15;
	v7 =	vmul.f32 v7, v17  }
0x1c2: {  	v53 =	vsub.f32 v33, v46;
	v9 =	vmul.f32 v9, v13;
	v55 =	vperm.xlane v11, v63  }
0x1c3: {  	v10 =	vadd.f32 v10, v30;
	v30 =	vsub.f32 v44, v46;
	v44 =	vmul.f32 v39, v8  }
0x1c4: {  	v54 =	vperm.xlane v50, v2;
	v8 =	vmul.f32 v49, v16;
	v11 =	vadd.f32 v55, v11  }
0x1c5: {  	v4 =	vmul.f32 v57, v58;
	v58 =	vadd.f32 v47, v12;
	v9 =	vadd.f32 v9, v18  }
0x1c6: {  	v33 =	vadd.f32 v54, v50;
	v8 =	vadd.f32 v8, v60;
	v60 =	vperm.xlane v11, v2;
	v2 =	vld [tilespmem:$0x1FEF0]  }
0x1c7: {  	v6 =	vmul.f32 v6, v14;
	v52 =	vadd.f32 v52, v48;
	v56 =	vperm.xlane v10, v1;
	[tilespmem:s29+$0x17250] =	vst v58  }
0x1c8: {  	v63 =	vmul.f32 v29, v51;
	v4 =	vadd.f32 v4, v59;
	[tilespmem:s29+$0x17290] =	vst v9;
	v57 =	vperm.xlane v33, v1  }
0x1c9: {  	v59 =	vadd.f32 v7, v3;
	v54 =	vmul.f32 v29, v5;
	v49 =	vadd.f32 v10, v56;
	[tilespmem:s29+$0x17260] =	vst v8  }
0x1ca: {  	v50 =	vmul.f32 v29, v53;
	[tilespmem:s29+$0x17200] =	vst v4;
	v47 =	vadd.f32 v57, v33;
	v48 =	vadd.f32 v60, v11  }
0x1cb: {  	s31 =	simm.s32 $0x800;
	[tilespmem:s29+$0x17270] =	vst v59;
	v51 =	vperm.xlane v49, v61;
	v33 =	vadd.f32 v6, v19;
	v46 =	vmul.f32 v63, v2  }
.LBB2_5:
0x1cc: {  	v12 =	vld [tilespmem:$0x1FEC0]  }
0x1cd: {  	v18 =	vld [tilespmem:$0x1FF30]  }
0x1ce: {  	v17 =	vld [tilespmem:$0x1FF10]  }
0x1cf: {  	v14 =	vld [tilespmem:$0x1FEE0]  }
0x1d0: {  	v15 =	vld [tilespmem:$0x1FEF0]  }
0x1d1: {  	v3 =	vld [tilespmem:$0x1FF80]  }
0x1d2: {  	v13 =	vld [tilespmem:$0x1FED0]  }
0x1d3: {  	v2 =	vld [tilespmem:$0x1FFB0]  }
0x1d4: {  	s2 =	sshra.s32 s31, $0x2;
	v19 =	vld [tilespmem:$0x1FF40]  }
0x1d5: {  	v6 =	vld [tilespmem:s2+$0xF2E0]  }
0x1d6: {  	v5 =	vmul.f32 v29, v41;
	v7 =	vadd.f32 v49, v51;
	v10 =	vld [tilespmem:s2+$0xF260];
	v4 =	vmul.f32 v54, v12  }
0x1d7: {  	v8 =	vperm.xlane v47, v61;
	v56 =	vld [tilespmem:s2+$0x7260];
	v11 =	vadd.f32 v46, v0;
	v46 =	vmul.f32 $7.812500000e-03, v52  }
0x1d8: {  	v53 =	vld [tilespmem:s2+$0x7270];
	v5 =	vmul.f32 v5, v17;
	v45 =	vmul.f32 v45, v15;
	v4 =	vadd.f32 v4, v18  }
0x1d9: {  	v9 =	vperm.xlane v48, v1;
	v1 =	vld [tilespmem:$0x1FF70];
	v8 =	vadd.f32 v8, v47;
	v47 =	vsub.f32 v24, v46  }
0x1da: {  	v7 =	vmul.f32 $7.812500000e-03, v7;
	v59 =	vadd.f32 v5, v3;
	v24 =	vadd.f32 v45, v0;
	v0 =	vld [tilespmem:$0x1FF50];
	[tilespmem:s29+$0x17280] =	vst v4  }
0x1db: {  	v9 =	vadd.f32 v9, v48;
	v41 =	vmul.f32 v44, v14;
	v5 =	vld [tilespmem:s2+$0xF270];
	[tilespmem:s29+$0x172C0] =	vst v11  }
0x1dc: {  	v8 =	vmul.f32 $7.812500000e-03, v8;
	v60 =	vmul.f32 v7, v7;
	v43 =	vsub.f32 v43, v7;
	v11 =	vld [tilespmem:s2+$0x72D0];
	[tilespmem:s29+$0x172E0] =	vst v59  }
0x1dd: {  	v44 =	vsub.f32 v37, v7;
	v37 =	vsub.f32 v31, v7;
	v31 =	vperm.xlane v9, v61;
	v4 =	vld [tilespmem:s2+$0x72A0]  }
0x1de: {  	v54 =	vsub.f32 v34, v7;
	v34 =	vmul.f32 v42, v62;
	v35 =	vsub.f32 v35, v7;
	v42 =	vld [tilespmem:s2+$0xF2D0]  }
0x1df: {  	v8 =	vsub.f32 v8, v60;
	v9 =	vadd.f32 v31, v9;
	v55 =	vld [tilespmem:s2+$0xF2B0]  }
0x1e0: {  	v36 =	vsub.f32 v36, v7;
	v38 =	vsub.f32 v38, v7;
	v61 =	vmul.f32 v46, v46;
	v57 =	vld [tilespmem:s2+$0xF210]  }
0x1e1: {  	v31 =	vmul.f32 v39, v22;
	v22 =	vmovc v35;
	v8 =	vadd.f32 $9.999999960e-13, v8;
	v9 =	vmul.f32 $7.812500000e-03, v9;
	v35 =	vld [tilespmem:s2+$0x72C0]  }
0x1e2: {  	v7 =	vsub.f32 v40, v7;
	v52 =	vsub.f32 v27, v46;
	v40 =	vld [tilespmem:s2+$0xF2C0]  }
0x1e3: {  	v62 =	vshra.s32 v8, $0x1;
	v8 =	vmul.f32 $5.000000000e-01, v8;
	v9 =	vsub.f32 v9, v61;
	v27 =	vld [tilespmem:s2+$0xF2A0]  }
0x1e4: {  	v51 =	vsub.f32 v28, v46;
	v58 =	vsub.s32 $0x5F3759DF, v62;
	v59 =	vld [tilespmem:s2+$0x7210]  }
0x1e5: {  	v49 =	vsub.f32 v26, v46;
	v28 =	vld [tilespmem:s2+$0xF290];
	v63 =	vmul.f32 v58, v8;
	v9 =	vadd.f32 $9.999999960e-13, v9  }
0x1e6: {  	v48 =	vsub.f32 v23, v46;
	v26 =	vmul.f32 v31, v13;
	v39 =	vld [tilespmem:s2+$0x72B0];
	v41 =	vadd.f32 v41, v0  }
0x1e7: {  	v60 =	vld [tilespmem:s2+$0x7280];
	[tilespmem:s29+$0x17240] =	vst v24;
	v31 =	vmul.f32 v58, v63;
	v16 =	vshra.s32 v9, $0x1;
	v9 =	vmul.f32 $5.000000000e-01, v9  }
0x1e8: {  	v34 =	vadd.f32 v34, v2;
	v23 =	vadd.f32 v40, v35;
	v35 =	vsub.s32 $0x5F3759DF, v16;
	v40 =	vld [tilespmem:s2+$0xF280]  }
0x1e9: {  	v26 =	vadd.f32 v26, v19;
	v45 =	vsub.f32 $1.500000000e+00, v31;
	[tilespmem:s29+$0x17220] =	vst v41;
	v16 =	vld [tilespmem:$0x1FF00];
	v61 =	vmul.f32 v35, v9  }
0x1ea: {  	v24 =	vadd.f32 v42, v11;
	v41 =	vsub.f32 v25, v46;
	v62 =	vld [tilespmem:s2+$0x7290];
	[tilespmem:s29+$0x17230] =	vst v34  }
0x1eb: {  	v31 =	vadd.f32 v5, v53;
	v5 =	vld [tilespmem:s2+$0x72E0];
	v11 =	vmul.f32 v58, v45;
	[tilespmem:s29+$0x17210] =	vst v26;
	v25 =	vmul.f32 v35, v61  }
0x1ec: {  	v53 =	vadd.f32 v55, v39;
	v26 =	vadd.f32 v27, v4;
	v4 =	vld [tilespmem:s2+$0xF2F0]  }
0x1ed: {  	v34 =	vadd.f32 v10, v56;
	v61 =	vld [tilespmem:s2+$0x72F0];
	v8 =	vmul.f32 v11, v8;
	v63 =	vsub.f32 $1.500000000e+00, v25  }
0x1ee: {  	v27 =	vadd.f32 v40, v60;
	v40 =	vmul.f32 v26, v26;
	v50 =	vmul.f32 v50, v16  }
0x1ef: {  	v45 =	vld [tilespmem:s2+$0xF200];
	v28 =	vadd.f32 v28, v62;
	v8 =	vmul.f32 v8, v11;
	v62 =	vsub.f32 v21, v46  }
0x1f0: {  	v42 =	vld [tilespmem:s2+$0x7200];
	v25 =	vadd.f32 v6, v5;
	v5 =	vmul.f32 v27, v27;
	v6 =	vmul.f32 v35, v63  }
0x1f1: {  	v58 =	vld [tilespmem:s2+$0xF220];
	v35 =	vadd.f32 v28, v27;
	v56 =	vmul.f32 v28, v28;
	v8 =	vsub.f32 $1.500000000e+00, v8  }
0x1f2: {  	v50 =	vadd.f32 v50, v1;
	v4 =	vadd.f32 v4, v61;
	v61 =	vld [tilespmem:s2+$0x7220];
	v9 =	vmul.f32 v6, v9  }
0x1f3: {  	v5 =	vadd.f32 v56, v5;
	v56 =	vadd.f32 v26, v35;
	v39 =	vmul.f32 v8, v11;
	v8 =	vld [tilespmem:s2+$0xF230]  }
0x1f4: {  	v11 =	vmul.f32 v4, v4;
	v21 =	vmovc v4;
	v35 =	vadd.f32 v57, v59;
	v4 =	vld [tilespmem:s2+$0x7230];
	v9 =	vmul.f32 v9, v6  }
0x1f5: {  	v59 =	vld [tilespmem:s2+$0xF240];
	v56 =	vadd.f32 v53, v56;
	v57 =	vmul.f32 v39, v37;
	v37 =	vadd.f32 v45, v42  }
0x1f6: {  	v5 =	vadd.f32 v40, v5;
	v42 =	vmul.f32 v39, v38;
	v40 =	vld [tilespmem:s2+$0x7240];
	v63 =	vmul.f32 v39, v44  }
0x1f7: {  	v10 =	vld [tilespmem:s2+$0xF250];
	v44 =	vmul.f32 v39, v36;
	v45 =	vmul.f32 v39, v7;
	v36 =	vadd.f32 v58, v61  }
0x1f8: {  	v54 =	vmul.f32 v39, v54;
	v58 =	vld [tilespmem:s2+$0x7250];
	v7 =	vsub.f32 $1.500000000e+00, v9;
	v56 =	vadd.f32 v23, v56  }
0x1f9: {  	[tilespmem:s29+$0x172D0] =	vst v50;
	v9 =	vadd.f32 v35, v37;
	v50 =	vmul.f32 v37, v37;
	v38 =	vadd.f32 v8, v4  }
0x1fa: {  	v6 =	vmul.f32 v7, v6;
	v7 =	vmul.f32 v35, v35;
	v56 =	vadd.f32 v24, v56  }
0x1fb: {  	v61 =	vmul.f32 v24, v24;
	v8 =	vadd.f32 v36, v9;
	v40 =	vadd.f32 v59, v40;
	v59 =	vld [tilespmem:$0x1FFC0]  }
0x1fc: {  	v9 =	vmul.f32 v39, v43;
	v7 =	vadd.f32 v7, v50;
	v4 =	vadd.f32 v25, v56  }
0x1fd: {  	v43 =	vadd.f32 v10, v58;
	v10 =	vmul.f32 v63, v12;
	v63 =	vmul.f32 v36, v36  }
0x1fe: {  	v8 =	vadd.f32 v38, v8;
	v58 =	vmul.f32 v53, v53;
	v4 =	vadd.f32 v21, v4  }
0x1ff: {  	v9 =	vmul.f32 v9, v16;
	v12 =	vmul.f32 v38, v38;
	v7 =	vadd.f32 v63, v7  }
0x200: {  	v56 =	vmul.f32 v23, v23;
	v5 =	vadd.f32 v58, v5;
	v16 =	vperm.xlane v4, v59  }
0x201: {  	v54 =	vmul.f32 v54, v17;
	v8 =	vadd.f32 v40, v8;
	v7 =	vadd.f32 v12, v7  }
0x202: {  	v17 =	vmul.f32 v40, v40;
	v5 =	vadd.f32 v56, v5;
	v4 =	vadd.f32 v4, v16;
	v16 =	vld [tilespmem:$0x1FFF0]  }
0x203: {  	v60 =	vmul.f32 v25, v25;
	v54 =	vadd.f32 v54, v3;
	v8 =	vadd.f32 v43, v8  }
0x204: {  	v63 =	vmul.f32 v43, v43;
	v7 =	vadd.f32 v17, v7;
	v5 =	vadd.f32 v61, v5  }
0x205: {  	v9 =	vadd.f32 v9, v1;
	v8 =	vadd.f32 v34, v8  }
0x206: {  	v1 =	vld [tilespmem:$0x1FFD0];
	v17 =	vmul.f32 v34, v34;
	v7 =	vadd.f32 v63, v7;
	v5 =	vadd.f32 v60, v5  }
0x207: {  	v10 =	vadd.f32 v10, v18;
	v8 =	vadd.f32 v31, v8;
	v12 =	vperm.xlane v4, v16  }
0x208: {  	v55 =	vmul.f32 v31, v31;
	v3 =	vld [tilespmem:$0x1FF90];
	v7 =	vadd.f32 v17, v7;
	v5 =	vadd.f32 v11, v5  }
0x209: {  	v32 =	vmul.f32 v29, v32;
	v17 =	vperm.xlane v8, v59;
	v4 =	vadd.f32 v4, v12;
	v12 =	vld [tilespmem:$0x1FF20]  }
0x20a: {  	[tilespmem:s30+$0x17200] =	vst v10;
	v10 =	vmul.f32 v29, v30;
	v61 =	vld [tilespmem:$0x1FFE0];
	v7 =	vadd.f32 v55, v7;
	v55 =	vperm.xlane v5, v59  }
0x20b: {  	v30 =	vmovc v62;
	v62 =	vld [tilespmem:$0x1FFA0];
	v29 =	vmov v6;
	v6 =	vadd.f32 v8, v17;
	v56 =	vperm.xlane v4, v1  }
0x20c: {  	v63 =	vperm.xlane v7, v59;
	v5 =	vadd.f32 v55, v5  }
0x20d: {  	[tilespmem:s30+$0x17260] =	vst v54;
	v54 =	vmul.f32 v29, v52;
	v17 =	vperm.xlane v6, v16;
	v4 =	vadd.f32 v4, v56  }
0x20e: {  	v7 =	vadd.f32 v63, v7;
	v63 =	vperm.xlane v5, v16;
	v58 =	vmul.f32 v57, v12  }
0x20f: {  	v6 =	vadd.f32 v6, v17;
	v56 =	vmul.f32 v29, v49;
	v50 =	vperm.xlane v4, v61  }
0x210: {  	v10 =	vmul.f32 v10, v12;
	v57 =	vadd.f32 v58, v3;
	v58 =	vmul.f32 v32, v62  }
0x211: {  	v52 =	vadd.f32 v4, v50;
	v50 =	vmul.f32 v29, v51;
	v51 =	vperm.xlane v7, v16  }
0x212: {  	p0 =	sne.s32 s31, $0xFC00;
	[tilespmem:s30+$0x17250] =	vst v9;
	v12 =	vadd.f32 v10, v3;
	v32 =	vsub.f32 v20, v46;
	v10 =	vperm.xlane v6, v1  }
.Ltmp1:
0x213: {  	v20 =	vmov v53;
	[tilespmem:s30+$0x17270] =	vst v57;
	v7 =	vadd.f32 v51, v7;
	v4 =	vmul.f32 v50, v13;
	(pc) =	sbr.rel @p0 .LBB2_5-.Ltmp1, $4  }
0x214: {  	v8 =	vadd.f32 v58, v2;
	v49 =	vadd.f32 v6, v10;
	v57 =	vmul.f32 v56, v14;
	[tilespmem:s29+$0x172A0] =	vst v33  }
0x215: {  	v58 =	vmul.f32 v29, v48;
	[tilespmem:s29+$0x172F0] =	vst v12;
	v60 =	vperm.xlane v7, v1;
	v4 =	vadd.f32 v4, v19  }
0x216: {  	v48 =	vadd.f32 v63, v5;
	v50 =	vmul.f32 v29, v47;
	[tilespmem:s29+$0x172B0] =	vst v8;
	s29 =	smov.u32 s30;
	v51 =	vperm.xlane v49, v61  }
0x217: {  	s31 =	sadd.s32 $0x400, s31;
	s30 =	smov.u32 s2;
	v33 =	vadd.f32 v57, v0;
	v0 =	vld [tilespmem:$0x1FF60];
	v46 =	vmul.f32 v58, v15;
	v47 =	vadd.f32 v60, v7;
	[tilespmem:s29+$0x17290] =	vst v4  }
0x218: {  	_ = 	snop  }
0x219: {  	v4 =	vadd.f32 v49, v51;
	v5 =	vperm.xlane v47, v61  }
0x21a: {  	v6 =	vperm.xlane v48, v1  }
0x21b: {  	v4 =	vmul.f32 $7.812500000e-03, v4;
	v5 =	vadd.f32 v5, v47  }
0x21c: {  	v6 =	vadd.f32 v6, v48  }
0x21d: {  	v7 =	vmul.f32 v4, v4;
	v5 =	vmul.f32 $7.812500000e-03, v5  }
0x21e: {  	v8 =	vperm.xlane v6, v61  }
0x21f: {  	v5 =	vsub.f32 v5, v7  }
0x220: {  	v6 =	vadd.f32 v8, v6  }
0x221: {  	v7 =	vmul.f32 $7.812500000e-03, v52;
	v5 =	vadd.f32 $9.999999960e-13, v5  }
0x222: {  	v6 =	vmul.f32 $7.812500000e-03, v6  }
0x223: {  	v8 =	vmul.f32 v7, v7;
	v9 =	vshra.s32 v5, $0x1;
	v5 =	vmul.f32 $5.000000000e-01, v5  }
0x224: {  	v9 =	vsub.s32 $0x5F3759DF, v9  }
0x225: {  	v6 =	vsub.f32 v6, v8;
	v8 =	vmul.f32 v9, v5  }
0x226: {  	v12 =	vld [tilespmem:$0x1FEC0]  }
0x227: {  	v18 =	vld [tilespmem:$0x1FF30];
	v8 =	vmul.f32 v9, v8  }
0x228: {  	v41 =	vmul.f32 v29, v41;
	v17 =	vld [tilespmem:$0x1FF10];
	v42 =	vmul.f32 v42, v62;
	v11 =	vsub.f32 v43, v4  }
0x229: {  	v14 =	vld [tilespmem:$0x1FEE0];
	v22 =	vmul.f32 v39, v22;
	v37 =	vsub.f32 v37, v4;
	v8 =	vsub.f32 $1.500000000e+00, v8  }
0x22a: {  	v15 =	vld [tilespmem:$0x1FEF0];
	v63 =	vmul.f32 v29, v30;
	v31 =	vsub.f32 v31, v4;
	v6 =	vadd.f32 $9.999999960e-13, v6  }
0x22b: {  	v3 =	vld [tilespmem:$0x1FF80];
	v34 =	vsub.f32 v34, v4;
	v35 =	vsub.f32 v35, v4;
	v8 =	vmul.f32 v9, v8  }
0x22c: {  	v13 =	vld [tilespmem:$0x1FED0];
	v36 =	vsub.f32 v36, v4;
	v47 =	vshra.s32 v6, $0x1;
	v6 =	vmul.f32 $5.000000000e-01, v6  }
0x22d: {  	v16 =	vld [tilespmem:$0x1FF00];
	v10 =	vmul.f32 v54, v12;
	v43 =	vsub.s32 $0x5F3759DF, v47;
	v5 =	vmul.f32 v8, v5  }
0x22e: {  	v19 =	vld [tilespmem:$0x1FF40];
	v38 =	vsub.f32 v38, v4;
	v49 =	vmul.f32 v41, v17;
	v48 =	vmul.f32 v43, v6  }
0x22f: {  	v4 =	vsub.f32 v40, v4;
	v44 =	vmul.f32 v44, v14;
	v5 =	vmul.f32 v5, v8  }
0x230: {  	v51 =	vadd.f32 v46, v0;
	v45 =	vmul.f32 v45, v15;
	v9 =	vmul.f32 v43, v48  }
0x231: {  	v22 =	vmul.f32 v22, v13;
	v10 =	vadd.f32 v10, v18;
	v5 =	vsub.f32 $1.500000000e+00, v5  }
0x232: {  	v41 =	vmovc v0;
	v55 =	vmul.f32 v50, v16;
	v52 =	vadd.f32 v45, v0;
	v0 =	vld [tilespmem:$0x1FF50];
	v9 =	vsub.f32 $1.500000000e+00, v9  }
0x233: {  	v1 =	vld [tilespmem:$0x1FF70];
	v40 =	vadd.f32 v49, v3;
	v22 =	vadd.f32 v22, v19;
	v5 =	vmul.f32 v5, v8  }
0x234: {  	v27 =	vsub.f32 v27, v7;
	v28 =	vsub.f32 v28, v7;
	v9 =	vmul.f32 v43, v9;
	v43 =	vld [tilespmem:$0x1FFB0]  }
0x235: {  	[tilespmem:s29+$0x172C0] =	vst v51;
	v26 =	vsub.f32 v26, v7;
	v23 =	vsub.f32 v23, v7;
	v37 =	vmul.f32 v5, v37  }
0x236: {  	v24 =	vsub.f32 v24, v7;
	[tilespmem:s29+$0x17280] =	vst v10;
	v54 =	vsub.f32 v25, v7;
	v6 =	vmul.f32 v9, v6  }
0x237: {  	[tilespmem:s29+$0x172E0] =	vst v40;
	v8 =	vadd.f32 v44, v0;
	v34 =	vmul.f32 v5, v34;
	v57 =	vmul.f32 v37, v12;
	v37 =	vld [tilespmem:$0x1FF20]  }
0x238: {  	[tilespmem:s29+$0x17240] =	vst v52;
	v25 =	vadd.f32 v55, v1;
	v21 =	vsub.f32 v21, v7;
	v6 =	vmul.f32 v6, v9  }
0x239: {  	v44 =	vld [tilespmem:$0x1FF90];
	v53 =	vadd.f32 v42, v43;
	[tilespmem:s29+$0x17220] =	vst v8;
	v8 =	vmul.f32 v5, v11;
	v56 =	vmul.f32 v34, v17  }
0x23a: {  	[tilespmem:s29+$0x17210] =	vst v22;
	v42 =	vmul.f32 v29, v32;
	v6 =	vsub.f32 $1.500000000e+00, v6;
	v31 =	vmul.f32 v5, v31  }
0x23b: {  	[tilespmem:s29+$0x172D0] =	vst v25;
	v40 =	vmul.f32 v5, v38;
	v8 =	vmul.f32 v8, v16;
	v58 =	vadd.f32 v56, v3  }
0x23c: {  	[tilespmem:s29+$0x17230] =	vst v53;
	v6 =	vmul.f32 v6, v9;
	v60 =	vadd.f32 v57, v18;
	v39 =	vmul.f32 v31, v37  }
0x23d: {  	v4 =	vmul.f32 v5, v4;
	v52 =	vmul.f32 v5, v36;
	v8 =	vadd.f32 v8, v1;
	[tilespmem:s30+$0x17260] =	vst v58  }
0x23e: {  	v46 =	vmul.f32 v6, v28;
	[tilespmem:s30+$0x17200] =	vst v60;
	v22 =	vmul.f32 v63, v37;
	v45 =	vadd.f32 v39, v44  }
0x23f: {  	v7 =	vsub.f32 v20, v7;
	v23 =	vmul.f32 v6, v23;
	[tilespmem:s30+$0x17250] =	vst v8;
	v8 =	vmul.f32 v42, v62  }
0x240: {  	v5 =	vmul.f32 v5, v35;
	v49 =	vmul.f32 v46, v13;
	v48 =	vadd.f32 v22, v44;
	[tilespmem:s30+$0x17270] =	vst v45  }
0x241: {  	v4 =	vmul.f32 v4, v15;
	v51 =	vmul.f32 v23, v15;
	v8 =	vadd.f32 v8, v43;
	[tilespmem:s29+$0x172A0] =	vst v33  }
0x242: {  	v5 =	vmul.f32 v5, v13;
	v47 =	vmul.f32 v6, v27;
	v50 =	vadd.f32 v49, v19;
	[tilespmem:s29+$0x172F0] =	vst v48  }
0x243: {  	v10 =	vmul.f32 v6, v54;
	v56 =	vmul.f32 v6, v24;
	v54 =	vadd.f32 v51, v41;
	[tilespmem:s29+$0x172B0] =	vst v8  }
0x244: {  	v57 =	vmul.f32 v40, v62;
	v4 =	vadd.f32 v4, v41;
	v9 =	vmul.f32 v47, v12;
	[tilespmem:s30+$0x17290] =	vst v50  }
0x245: {  	v5 =	vadd.f32 v5, v19;
	v53 =	vmul.f32 v10, v17;
	v58 =	vmul.f32 v6, v26;
	[tilespmem:s30+$0x172C0] =	vst v54  }
0x246: {  	v60 =	vmul.f32 v6, v21;
	v6 =	vmul.f32 v6, v7;
	v8 =	vadd.f32 v9, v18;
	[tilespmem:s30+$0x17240] =	vst v4  }
0x247: {  	v10 =	vadd.f32 v57, v43;
	v4 =	vmul.f32 v56, v16;
	[tilespmem:s30+$0x17210] =	vst v5  }
0x248: {  	v5 =	vmul.f32 v6, v62;
	[tilespmem:s30+$0x17280] =	vst v8;
	v8 =	vadd.f32 v53, v3  }
0x249: {  	v55 =	vmul.f32 v52, v14;
	[tilespmem:s30+$0x17230] =	vst v10;
	v4 =	vadd.f32 v4, v1  }
0x24a: {  	s26 =	sadd.s32 $0x1, s26;
	v7 =	vmul.f32 v60, v37;
	v5 =	vadd.f32 v5, v43;
	[tilespmem:s30+$0x172E0] =	vst v8  }
0x24b: {  	p0 =	sne.s32 s26, $0x19;
	v63 =	vmul.f32 v58, v14;
	v8 =	vadd.f32 v55, v0;
	[tilespmem:s30+$0x172D0] =	vst v4  }
.Ltmp2:
0x24c: {  	s2 =	sshll.u32 s28, $0xE;
	v4 =	vadd.f32 v7, v44;
	[tilespmem:s30+$0x172B0] =	vst v5;
	(pc) =	sbr.rel @p0 .LBB2_2-.Ltmp2, $4  }
0x24d: {  	s2 =	sadd.s32 s8, s2;
	[tilespmem:s30+$0x17220] =	vst v8;
	v8 =	vadd.f32 v63, v0  }
0x24e: {  	s2 =	sshrl.u32 s2, $0x3;
	[tilespmem:s30+$0x172F0] =	vst v4  }
0x24f: {  	s2 =	sadd.s32 s3, s2;
	v6 =	vld [tilespmem:$0x1FFF0];
	[tilespmem:s30+$0x172A0] =	vst v8  }
0x250: {  	v1 =	vld [tilespmem:$0x1FFD0];
	[hbm4b:s2+s4] =	stream.linear.scatter [tilespmem:s22], [sflag:$0x6], $0x4000, $0x38  }
0x251: {  	s25 =	sadd.s32 $0x1, s25  }
0x252: {  	_ =	swait.ge [sflag:s23], $0x4000;
	p0 =	sne.s32 s25, s9  }
.Ltmp3:
0x253: {  	[sflag:s23] =	ssyncset.done $0x0;
	(pc) =	sbr.rel @p0 .LBB2_1-.Ltmp3, $4  }
0x254: {  	[sflag:s23] =	ssyncadd.s32 $0xFFFFC000  }
0x255: {  	_ =	swait.ge [sflag:s24], $0x4000  }
0x256: {  	[sflag:s24] =	ssyncset.done $0x0  }
0x257: {  	[sflag:s24] =	ssyncadd.s32 $0xFFFFC000  }
0x258: {  	_ =	sfence.sel $0x180000  }
0x259: {  	[bflag:$0x0] =	sbarrier.arrive $0xFFFF  }
0x25a: {  	_ =	strace $0x90000047  }
0x25b: {  	[bflag:$0x2] =	sbarrier.arrive $0xFFFF  }
0x25c: {  	p0 =	sne.s32 s0, $0x0;
	s0 =	rddreg [dreg:$0x3]  }
0x25d: {  	s0 =	sadd.s32 @!p0 $0x100000, s0  }
0x25e: {  	[sflag:s0] =	ssyncadd.tile.s32 @!p0 $0x1;
	_ =	shalt  }
.Lfunc_end2:
_tile_overlayer_lowered:
.L_overlay_start_2:
0x25f: {  	(tag) =	ssettag $0x2  }
0x260: {  	s0 =	rddreg [dreg:$0x0];
	s2 =	stileid.u32  }
0x261: {  	s1 =	rddreg [dreg:$0x1];
	p0 =	sne.s32 s2, $0x0  }
0x262: {  	s3 =	rddreg [dreg:$0x2];
	[bflag:$0x3] =	sbarrier.arrive $0xFFFF;
	s2 =	simm.s32 @!p0 $0x1C07  }
0x263: {  	[timem:s3], [sflag:s2] =	dma.local @!p0 [hbm:s0], s1  }
0x264: {  	s0 =	simm.s32 @!p0 $0x7  }
0x265: {  	_ =	swait.ge @!p0 [sflag:s0], s1  }
0x266: {  	s1 =	ssub.s32 @!p0 $0x0, s1;
	[sflag:s0] =	ssyncset.done @!p0 $0x0  }
0x267: {  	[sflag:s0] =	ssyncadd.s32 @!p0 s1  }
0x268: {  	[bflag:$0x3] =	sbarrier.arrive $0xFFFF  }
0x269: {  	_ =	shalt  }

</sc_bundles>
